<compile_context>
chip_gen: v7x
topology: tpu7x:2x2x1
jax: 0.10.2.dev20260603
libtpu: 0.0.44.dev20260713+nightly
codegen_flags: <defaults>
</compile_context>

<pallas_src>
import functools

import jax
import jax.numpy as jnp
from jax import lax
from jax.experimental import pallas as pl
from jax.experimental.pallas import tpu as pltpu
from jax.experimental.pallas import tpu_sc as plsc

B = 4096
SEQ = 200
D = 64
HIDDEN = 128
N_CLASSES = 100
S0 = 96
S1 = 104

NC = 2
NS = 16
NW = NC * NS
BPW = B // NW
LANES = 16
DCH = D // LANES


def _make_bagmean():
  mesh = plsc.VectorSubcoreMesh(core_axis_name="c", subcore_axis_name="s")

  @functools.partial(
      pl.kernel,
      mesh=mesh,
      compiler_params=pltpu.CompilerParams(use_tc_tiling_on_sc=False,
                                           needs_layout_passes=False),
      out_type=jax.ShapeDtypeStruct((B, D), jnp.float32),
      scratch_types=[
          pltpu.VMEM((BPW * SEQ,), jnp.int32),
          pltpu.VMEM((4, SEQ, D), jnp.float32),
          pltpu.VMEM((BPW, D), jnp.float32),
          pltpu.SemaphoreType.DMA,
          pltpu.SemaphoreType.DMA,
          pltpu.SemaphoreType.DMA,
          pltpu.SemaphoreType.DMA,
      ],
  )
  def bagmean(idx_hbm, table_hbm, out_hbm, idx_v, rows_v, out_v,
              sem0, sem1, sem2, sem3):
    wid = lax.axis_index("s") * NC + lax.axis_index("c")
    base = wid * BPW
    pltpu.sync_copy(idx_hbm.at[pl.ds(base * SEQ, BPW * SEQ)], idx_v)

    sems = (sem0, sem1, sem2, sem3)

    def issue(j, b):
      pltpu.async_copy(table_hbm.at[idx_v.at[pl.ds(j * SEQ, S0)]],
                       rows_v.at[b, pl.ds(0, S0)], sems[b])
      pltpu.async_copy(table_hbm.at[idx_v.at[pl.ds(j * SEQ + S0, S1)]],
                       rows_v.at[b, pl.ds(S0, S1)], sems[b])

    def wait_pair(j, b):
      pltpu.make_async_copy(table_hbm.at[idx_v.at[pl.ds(j * SEQ, S0)]],
                            rows_v.at[b, pl.ds(0, S0)], sems[b]).wait()
      pltpu.make_async_copy(table_hbm.at[idx_v.at[pl.ds(j * SEQ + S0, S1)]],
                            rows_v.at[b, pl.ds(S0, S1)], sems[b]).wait()

    def accumulate(j, b):
      def row_body(r, acc):
        return tuple(acc[c] + rows_v[b, r, pl.ds(c * LANES, LANES)]
                     for c in range(DCH))

      acc = lax.fori_loop(
          0, SEQ, row_body,
          tuple(jnp.zeros((LANES,), jnp.float32) for _ in range(DCH)),
          unroll=8)
      for c in range(DCH):
        out_v[j, pl.ds(c * LANES, LANES)] = acc[c] * (1.0 / SEQ)

    NB = 4
    for b in range(NB):
      issue(b, b)

    def ring_body(p, carry):
      j0 = NB * p
      for b in range(NB):
        j = j0 + b
        wait_pair(j, b)
        accumulate(j, b)
        issue(lax.rem(j + NB, BPW), b)
      return carry

    lax.fori_loop(0, BPW // NB, ring_body, 0)
    for b in range(NB):
      wait_pair(b, b)

    pltpu.sync_copy(out_v, out_hbm.at[pl.ds(base, BPW)])

  return bagmean


def _mlp_body(x_ref, w1t_ref, b1_ref, w2t_ref, b2_ref, out_ref):
  x = x_ref[...]
  h = jnp.dot(x, w1t_ref[...], preferred_element_type=jnp.float32)
  h = jnp.maximum(h + b1_ref[...], 0.0)
  out_ref[...] = (
      jnp.dot(h, w2t_ref[...], preferred_element_type=jnp.float32)
      + b2_ref[...])


def _mlp(x, W1, b1, W2, b2):
  blk = 512
  grid = (B // blk,)
  return pl.pallas_call(
      _mlp_body,
      grid=grid,
      in_specs=[
          pl.BlockSpec((blk, D), lambda i: (i, 0)),
          pl.BlockSpec((D, HIDDEN), lambda i: (0, 0)),
          pl.BlockSpec((1, HIDDEN), lambda i: (0, 0)),
          pl.BlockSpec((HIDDEN, N_CLASSES), lambda i: (0, 0)),
          pl.BlockSpec((1, N_CLASSES), lambda i: (0, 0)),
      ],
      out_specs=pl.BlockSpec((blk, N_CLASSES), lambda i: (i, 0)),
      out_shape=jax.ShapeDtypeStruct((B, N_CLASSES), jnp.float32),
  )(x, W1.T, b1.reshape(1, HIDDEN), W2.T, b2.reshape(1, N_CLASSES))


def kernel(batch_input, table, W1, b1, W2, b2):
  tbl_flat = lax.optimization_barrier(jnp.reshape(table, (-1,)))
  x = _make_bagmean()(batch_input.reshape(-1),
                      jnp.reshape(tbl_flat, table.shape))
  return _mlp(x, W1, b1, W2, b2)

# --- scband reference (transcript-rebuilt; emitter-appended) ---
"""Pipeline reference for scband-bow-78030965834344 (READ-ONLY COPY).

The authoritative reference and input builder live on the scoring server;
editing this copy changes nothing except your own understanding.
"""

import jax, jax.numpy as jnp
import numpy as np

N_CHARS = 100000
EMB_DIM = 64
HIDDEN = 128
N_CLASSES = 100
BATCH = 4096
SEQ = 200
PADDING_IDX = 0


def setup_inputs(seed: int = 0) -> dict:
    key = jax.random.key(seed)
    k_idx, k_tab, k_w1, k_b1, k_w2, k_b2 = jax.random.split(key, 6)
    batch_input = jax.random.randint(k_idx, (BATCH, SEQ), 0, N_CHARS, dtype=jnp.int64 if jax.config.jax_enable_x64 else jnp.int32)
    batch_input = batch_input.astype(jnp.int32)
    table = jax.random.normal(k_tab, (N_CHARS, EMB_DIM), dtype=jnp.float32)
    table = table.at[PADDING_IDX].set(0.0)
    # torch.nn.Linear default init approximated with uniform(-1/sqrt(fan_in), 1/sqrt(fan_in))
    lim1 = 1.0 / np.sqrt(EMB_DIM)
    W1 = jax.random.uniform(k_w1, (HIDDEN, EMB_DIM), minval=-lim1, maxval=lim1, dtype=jnp.float32)
    b1 = jax.random.uniform(k_b1, (HIDDEN,), minval=-lim1, maxval=lim1, dtype=jnp.float32)
    lim2 = 1.0 / np.sqrt(HIDDEN)
    W2 = jax.random.uniform(k_w2, (N_CLASSES, HIDDEN), minval=-lim2, maxval=lim2, dtype=jnp.float32)
    b2 = jax.random.uniform(k_b2, (N_CLASSES,), minval=-lim2, maxval=lim2, dtype=jnp.float32)
    return {"batch_input": batch_input, "table": table, "W1": W1, "b1": b1, "W2": W2, "b2": b2}


def reference(batch_input, table, W1, b1, W2, b2):
    # EmbeddingBag mode='mean': gather rows then mean over bag (sequence) dim
    emb = jnp.take(table, batch_input, axis=0)          # [B, L, D]
    x = jnp.mean(emb, axis=1)                            # [B, D]
    # dropout p=0.0 -> identity
    h = jnp.maximum(x @ W1.T + b1, 0.0)                  # [B, H]
    logit = h @ W2.T + b2                                # [B, C]
    return logit

if __name__ == "__main__":
    import jax
    _d = setup_inputs()
    print(jax.jit(kernel)(*tuple(_d.values())))

</pallas_src>

<mosaic_0001>
#map = affine_map<(d0, d1) -> (0)>
#map1 = affine_map<(d0, d1) -> (0, 0)>
module attributes {stable_mosaic.version = 14 : i64} {
  func.func @bagmean(%arg0: i32, %arg1: i32, %arg2: memref<819200xi32, #tpu.memory_space<hbm>>, %arg3: memref<100000x64xf32, #tpu.memory_space<hbm>>, %arg4: memref<4096x64xf32, #tpu.memory_space<hbm>>, %arg5: memref<25600xi32, #tpu.memory_space<vmem>>, %arg6: memref<4x200x64xf32, #tpu.memory_space<vmem>>, %arg7: memref<128x64xf32, #tpu.memory_space<vmem>>, %arg8: memref<!tpu.dma_semaphore, #tpu.memory_space<semaphore_mem>>, %arg9: memref<!tpu.dma_semaphore, #tpu.memory_space<semaphore_mem>>, %arg10: memref<!tpu.dma_semaphore, #tpu.memory_space<semaphore_mem>>, %arg11: memref<!tpu.dma_semaphore, #tpu.memory_space<semaphore_mem>>) attributes {dimension_semantics = [#tpu.dimension_semantics<core_parallel>, #tpu.dimension_semantics<subcore_parallel>], iteration_bounds = array<i64: 2, 16>, scalar_prefetch = 0 : i64, scratch_operands = 7 : i64, tpu.core_type = #tpu.core_type<sc_vector_subcore>, window_params = [{transform_indices = #map}, {transform_indices = #map1}, {transform_indices = #map1}]} {
    %mul3A = arith.constant 2 : i32
    %mul3A_0 = arith.muli %arg1, %mul3A : i32
    %add3A = arith.addi %mul3A_0, %arg0 : i32
    %mul3A_1 = arith.constant 128 : i32
    %mul3A_2 = arith.muli %add3A, %mul3A_1 : i32
    %mul3A_3 = arith.constant 200 : i32
    %mul3A_4 = arith.muli %mul3A_2, %mul3A_3 : i32
    "tpu.region"() ({
      %run_scoped3A = tpu.sem_alloc : memref<!tpu.dma_semaphore, #tpu.memory_space<semaphore_mem>>
      %dma_start3A_168 = tpu.memref_slice %arg2[%mul3A_4] : memref<819200xi32, #tpu.memory_space<hbm>> -> memref<25600xi32, #tpu.memory_space<hbm>>
      %dma_start3A_169 = tpu.memref_slice %arg2[%mul3A_4] : memref<819200xi32, #tpu.memory_space<hbm>> -> memref<25600xi32, #tpu.memory_space<hbm>>
      tpu.enqueue_dma source(%dma_start3A_169 : memref<25600xi32, #tpu.memory_space<hbm>>) target(%arg5 : memref<25600xi32, #tpu.memory_space<vmem>>) target_semaphore(%run_scoped3A : memref<!tpu.dma_semaphore, #tpu.memory_space<semaphore_mem>>)
      %dma_wait3A_170 = tpu.memref_slice %arg2[%mul3A_4] : memref<819200xi32, #tpu.memory_space<hbm>> -> memref<25600xi32, #tpu.memory_space<hbm>>
      %dma_wait3A_171 = tpu.memref_slice %arg2[%mul3A_4] : memref<819200xi32, #tpu.memory_space<hbm>> -> memref<25600xi32, #tpu.memory_space<hbm>>
      tpu.wait_dma2 semaphore(%run_scoped3A : memref<!tpu.dma_semaphore, #tpu.memory_space<semaphore_mem>>) src(%dma_wait3A_171 : memref<25600xi32, #tpu.memory_space<hbm>>) dst(%arg5 : memref<25600xi32, #tpu.memory_space<vmem>>)
      tpu.yield
    }) : () -> ()
    %dma_start3A = arith.constant 0 : i32
    %dma_start3A_5 = arith.constant 0 : i32
    %dma_start3A_6 = arith.constant 0 : i32
    %dma_start3A_7 = tpu.memref_slice %arg6[%dma_start3A, %dma_start3A_5, %dma_start3A_6] : memref<4x200x64xf32, #tpu.memory_space<vmem>> -> memref<1x96x64xf32, #tpu.memory_space<vmem>>
    %dma_start3A_8 = tpu.memref_squeeze %dma_start3A_7 : memref<1x96x64xf32, #tpu.memory_space<vmem>> -> memref<96x64xf32, #tpu.memory_space<vmem>>
    %dma_start3A_9 = arith.constant 0 : i32
    %dma_start3A_10 = tpu.memref_slice %arg5[%dma_start3A_9] : memref<25600xi32, #tpu.memory_space<vmem>> -> memref<96xi32, #tpu.memory_space<vmem>>
    %dma_start3A_11 = arith.constant 0 : i32
    %dma_start3A_12 = arith.constant 0 : i32
    %dma_start3A_13 = tpu.memref_slice %arg3[%dma_start3A_11, %dma_start3A_12] : memref<100000x64xf32, #tpu.memory_space<hbm>> -> memref<100000x64xf32, #tpu.memory_space<hbm>>
    tpu.enqueue_indirect_dma source(%dma_start3A_13 : memref<100000x64xf32, #tpu.memory_space<hbm>>) target(%dma_start3A_8 : memref<96x64xf32, #tpu.memory_space<vmem>>) offsets(%dma_start3A_10 : memref<96xi32, #tpu.memory_space<vmem>>) semaphore(%arg8 : memref<!tpu.dma_semaphore, #tpu.memory_space<semaphore_mem>>)
    %dma_start3A_14 = arith.constant 0 : i32
    %dma_start3A_15 = arith.constant 96 : i32
    %dma_start3A_16 = arith.constant 0 : i32
    %dma_start3A_17 = tpu.memref_slice %arg6[%dma_start3A_14, %dma_start3A_15, %dma_start3A_16] : memref<4x200x64xf32, #tpu.memory_space<vmem>> -> memref<1x104x64xf32, #tpu.memory_space<vmem>>
    %dma_start3A_18 = tpu.memref_squeeze %dma_start3A_17 : memref<1x104x64xf32, #tpu.memory_space<vmem>> -> memref<104x64xf32, #tpu.memory_space<vmem>>
    %dma_start3A_19 = arith.constant 96 : i32
    %dma_start3A_20 = tpu.memref_slice %arg5[%dma_start3A_19] : memref<25600xi32, #tpu.memory_space<vmem>> -> memref<104xi32, #tpu.memory_space<vmem>>
    %dma_start3A_21 = arith.constant 0 : i32
    %dma_start3A_22 = arith.constant 0 : i32
    %dma_start3A_23 = tpu.memref_slice %arg3[%dma_start3A_21, %dma_start3A_22] : memref<100000x64xf32, #tpu.memory_space<hbm>> -> memref<100000x64xf32, #tpu.memory_space<hbm>>
    tpu.enqueue_indirect_dma source(%dma_start3A_23 : memref<100000x64xf32, #tpu.memory_space<hbm>>) target(%dma_start3A_18 : memref<104x64xf32, #tpu.memory_space<vmem>>) offsets(%dma_start3A_20 : memref<104xi32, #tpu.memory_space<vmem>>) semaphore(%arg8 : memref<!tpu.dma_semaphore, #tpu.memory_space<semaphore_mem>>)
    %dma_start3A_24 = arith.constant 1 : i32
    %dma_start3A_25 = arith.constant 0 : i32
    %dma_start3A_26 = arith.constant 0 : i32
    %dma_start3A_27 = tpu.memref_slice %arg6[%dma_start3A_24, %dma_start3A_25, %dma_start3A_26] : memref<4x200x64xf32, #tpu.memory_space<vmem>> -> memref<1x96x64xf32, #tpu.memory_space<vmem>>
    %dma_start3A_28 = tpu.memref_squeeze %dma_start3A_27 : memref<1x96x64xf32, #tpu.memory_space<vmem>> -> memref<96x64xf32, #tpu.memory_space<vmem>>
    %dma_start3A_29 = arith.constant 200 : i32
    %dma_start3A_30 = tpu.memref_slice %arg5[%dma_start3A_29] : memref<25600xi32, #tpu.memory_space<vmem>> -> memref<96xi32, #tpu.memory_space<vmem>>
    %dma_start3A_31 = arith.constant 0 : i32
    %dma_start3A_32 = arith.constant 0 : i32
    %dma_start3A_33 = tpu.memref_slice %arg3[%dma_start3A_31, %dma_start3A_32] : memref<100000x64xf32, #tpu.memory_space<hbm>> -> memref<100000x64xf32, #tpu.memory_space<hbm>>
    tpu.enqueue_indirect_dma source(%dma_start3A_33 : memref<100000x64xf32, #tpu.memory_space<hbm>>) target(%dma_start3A_28 : memref<96x64xf32, #tpu.memory_space<vmem>>) offsets(%dma_start3A_30 : memref<96xi32, #tpu.memory_space<vmem>>) semaphore(%arg9 : memref<!tpu.dma_semaphore, #tpu.memory_space<semaphore_mem>>)
    %dma_start3A_34 = arith.constant 1 : i32
    %dma_start3A_35 = arith.constant 96 : i32
    %dma_start3A_36 = arith.constant 0 : i32
    %dma_start3A_37 = tpu.memref_slice %arg6[%dma_start3A_34, %dma_start3A_35, %dma_start3A_36] : memref<4x200x64xf32, #tpu.memory_space<vmem>> -> memref<1x104x64xf32, #tpu.memory_space<vmem>>
    %dma_start3A_38 = tpu.memref_squeeze %dma_start3A_37 : memref<1x104x64xf32, #tpu.memory_space<vmem>> -> memref<104x64xf32, #tpu.memory_space<vmem>>
    %dma_start3A_39 = arith.constant 296 : i32
    %dma_start3A_40 = tpu.memref_slice %arg5[%dma_start3A_39] : memref<25600xi32, #tpu.memory_space<vmem>> -> memref<104xi32, #tpu.memory_space<vmem>>
    %dma_start3A_41 = arith.constant 0 : i32
    %dma_start3A_42 = arith.constant 0 : i32
    %dma_start3A_43 = tpu.memref_slice %arg3[%dma_start3A_41, %dma_start3A_42] : memref<100000x64xf32, #tpu.memory_space<hbm>> -> memref<100000x64xf32, #tpu.memory_space<hbm>>
    tpu.enqueue_indirect_dma source(%dma_start3A_43 : memref<100000x64xf32, #tpu.memory_space<hbm>>) target(%dma_start3A_38 : memref<104x64xf32, #tpu.memory_space<vmem>>) offsets(%dma_start3A_40 : memref<104xi32, #tpu.memory_space<vmem>>) semaphore(%arg9 : memref<!tpu.dma_semaphore, #tpu.memory_space<semaphore_mem>>)
    %dma_start3A_44 = arith.constant 2 : i32
    %dma_start3A_45 = arith.constant 0 : i32
    %dma_start3A_46 = arith.constant 0 : i32
    %dma_start3A_47 = tpu.memref_slice %arg6[%dma_start3A_44, %dma_start3A_45, %dma_start3A_46] : memref<4x200x64xf32, #tpu.memory_space<vmem>> -> memref<1x96x64xf32, #tpu.memory_space<vmem>>
    %dma_start3A_48 = tpu.memref_squeeze %dma_start3A_47 : memref<1x96x64xf32, #tpu.memory_space<vmem>> -> memref<96x64xf32, #tpu.memory_space<vmem>>
    %dma_start3A_49 = arith.constant 400 : i32
    %dma_start3A_50 = tpu.memref_slice %arg5[%dma_start3A_49] : memref<25600xi32, #tpu.memory_space<vmem>> -> memref<96xi32, #tpu.memory_space<vmem>>
    %dma_start3A_51 = arith.constant 0 : i32
    %dma_start3A_52 = arith.constant 0 : i32
    %dma_start3A_53 = tpu.memref_slice %arg3[%dma_start3A_51, %dma_start3A_52] : memref<100000x64xf32, #tpu.memory_space<hbm>> -> memref<100000x64xf32, #tpu.memory_space<hbm>>
    tpu.enqueue_indirect_dma source(%dma_start3A_53 : memref<100000x64xf32, #tpu.memory_space<hbm>>) target(%dma_start3A_48 : memref<96x64xf32, #tpu.memory_space<vmem>>) offsets(%dma_start3A_50 : memref<96xi32, #tpu.memory_space<vmem>>) semaphore(%arg10 : memref<!tpu.dma_semaphore, #tpu.memory_space<semaphore_mem>>)
    %dma_start3A_54 = arith.constant 2 : i32
    %dma_start3A_55 = arith.constant 96 : i32
    %dma_start3A_56 = arith.constant 0 : i32
    %dma_start3A_57 = tpu.memref_slice %arg6[%dma_start3A_54, %dma_start3A_55, %dma_start3A_56] : memref<4x200x64xf32, #tpu.memory_space<vmem>> -> memref<1x104x64xf32, #tpu.memory_space<vmem>>
    %dma_start3A_58 = tpu.memref_squeeze %dma_start3A_57 : memref<1x104x64xf32, #tpu.memory_space<vmem>> -> memref<104x64xf32, #tpu.memory_space<vmem>>
    %dma_start3A_59 = arith.constant 496 : i32
    %dma_start3A_60 = tpu.memref_slice %arg5[%dma_start3A_59] : memref<25600xi32, #tpu.memory_space<vmem>> -> memref<104xi32, #tpu.memory_space<vmem>>
    %dma_start3A_61 = arith.constant 0 : i32
    %dma_start3A_62 = arith.constant 0 : i32
    %dma_start3A_63 = tpu.memref_slice %arg3[%dma_start3A_61, %dma_start3A_62] : memref<100000x64xf32, #tpu.memory_space<hbm>> -> memref<100000x64xf32, #tpu.memory_space<hbm>>
    tpu.enqueue_indirect_dma source(%dma_start3A_63 : memref<100000x64xf32, #tpu.memory_space<hbm>>) target(%dma_start3A_58 : memref<104x64xf32, #tpu.memory_space<vmem>>) offsets(%dma_start3A_60 : memref<104xi32, #tpu.memory_space<vmem>>) semaphore(%arg10 : memref<!tpu.dma_semaphore, #tpu.memory_space<semaphore_mem>>)
    %dma_start3A_64 = arith.constant 3 : i32
    %dma_start3A_65 = arith.constant 0 : i32
    %dma_start3A_66 = arith.constant 0 : i32
    %dma_start3A_67 = tpu.memref_slice %arg6[%dma_start3A_64, %dma_start3A_65, %dma_start3A_66] : memref<4x200x64xf32, #tpu.memory_space<vmem>> -> memref<1x96x64xf32, #tpu.memory_space<vmem>>
    %dma_start3A_68 = tpu.memref_squeeze %dma_start3A_67 : memref<1x96x64xf32, #tpu.memory_space<vmem>> -> memref<96x64xf32, #tpu.memory_space<vmem>>
    %dma_start3A_69 = arith.constant 600 : i32
    %dma_start3A_70 = tpu.memref_slice %arg5[%dma_start3A_69] : memref<25600xi32, #tpu.memory_space<vmem>> -> memref<96xi32, #tpu.memory_space<vmem>>
    %dma_start3A_71 = arith.constant 0 : i32
    %dma_start3A_72 = arith.constant 0 : i32
    %dma_start3A_73 = tpu.memref_slice %arg3[%dma_start3A_71, %dma_start3A_72] : memref<100000x64xf32, #tpu.memory_space<hbm>> -> memref<100000x64xf32, #tpu.memory_space<hbm>>
    tpu.enqueue_indirect_dma source(%dma_start3A_73 : memref<100000x64xf32, #tpu.memory_space<hbm>>) target(%dma_start3A_68 : memref<96x64xf32, #tpu.memory_space<vmem>>) offsets(%dma_start3A_70 : memref<96xi32, #tpu.memory_space<vmem>>) semaphore(%arg11 : memref<!tpu.dma_semaphore, #tpu.memory_space<semaphore_mem>>)
    %dma_start3A_74 = arith.constant 3 : i32
    %dma_start3A_75 = arith.constant 96 : i32
    %dma_start3A_76 = arith.constant 0 : i32
    %dma_start3A_77 = tpu.memref_slice %arg6[%dma_start3A_74, %dma_start3A_75, %dma_start3A_76] : memref<4x200x64xf32, #tpu.memory_space<vmem>> -> memref<1x104x64xf32, #tpu.memory_space<vmem>>
    %dma_start3A_78 = tpu.memref_squeeze %dma_start3A_77 : memref<1x104x64xf32, #tpu.memory_space<vmem>> -> memref<104x64xf32, #tpu.memory_space<vmem>>
    %dma_start3A_79 = arith.constant 696 : i32
    %dma_start3A_80 = tpu.memref_slice %arg5[%dma_start3A_79] : memref<25600xi32, #tpu.memory_space<vmem>> -> memref<104xi32, #tpu.memory_space<vmem>>
    %dma_start3A_81 = arith.constant 0 : i32
    %dma_start3A_82 = arith.constant 0 : i32
    %dma_start3A_83 = tpu.memref_slice %arg3[%dma_start3A_81, %dma_start3A_82] : memref<100000x64xf32, #tpu.memory_space<hbm>> -> memref<100000x64xf32, #tpu.memory_space<hbm>>
    tpu.enqueue_indirect_dma source(%dma_start3A_83 : memref<100000x64xf32, #tpu.memory_space<hbm>>) target(%dma_start3A_78 : memref<104x64xf32, #tpu.memory_space<vmem>>) offsets(%dma_start3A_80 : memref<104xi32, #tpu.memory_space<vmem>>) semaphore(%arg11 : memref<!tpu.dma_semaphore, #tpu.memory_space<semaphore_mem>>)
    %scan3A = arith.constant 0 : i32
    %scan3A_84 = arith.constant 0 : i32
    %scan3A_85 = arith.constant 32 : i32
    %scan3A_86 = arith.addi %scan3A_84, %scan3A_85 : i32
    %scan3A_87 = arith.constant 1 : i32
    scf.for %scan3A_168 = %scan3A_84 to %scan3A_86 step %scan3A_87  : i32 {
      %mul3A_169 = arith.constant 4 : i32
      %mul3A_170 = arith.muli %mul3A_169, %scan3A_168 : i32
      %add3A_171 = arith.constant 0 : i32
      %add3A_172 = arith.addi %mul3A_170, %add3A_171 : i32
      %mul3A_173 = arith.constant 200 : i32
      %mul3A_174 = arith.muli %add3A_172, %mul3A_173 : i32
      %dma_wait3A_175 = arith.constant 0 : i32
      %dma_wait3A_176 = arith.constant 0 : i32
      %dma_wait3A_177 = arith.constant 0 : i32
      %dma_wait3A_178 = tpu.memref_slice %arg6[%dma_wait3A_175, %dma_wait3A_176, %dma_wait3A_177] : memref<4x200x64xf32, #tpu.memory_space<vmem>> -> memref<1x96x64xf32, #tpu.memory_space<vmem>>
      %dma_wait3A_179 = tpu.memref_squeeze %dma_wait3A_178 : memref<1x96x64xf32, #tpu.memory_space<vmem>> -> memref<96x64xf32, #tpu.memory_space<vmem>>
      %dma_wait3A_180 = tpu.memref_slice %arg5[%mul3A_174] : memref<25600xi32, #tpu.memory_space<vmem>> -> memref<96xi32, #tpu.memory_space<vmem>>
      %dma_wait3A_181 = arith.constant 0 : i32
      %dma_wait3A_182 = arith.constant 0 : i32
      %dma_wait3A_183 = tpu.memref_slice %arg3[%dma_wait3A_181, %dma_wait3A_182] : memref<100000x64xf32, #tpu.memory_space<hbm>> -> memref<100000x64xf32, #tpu.memory_space<hbm>>
      tpu.wait_indirect_dma semaphore(%arg8 : memref<!tpu.dma_semaphore, #tpu.memory_space<semaphore_mem>>) src(%dma_wait3A_183 : memref<100000x64xf32, #tpu.memory_space<hbm>>) dst(%dma_wait3A_179 : memref<96x64xf32, #tpu.memory_space<vmem>>)
      %mul3A_184 = arith.constant 200 : i32
      %mul3A_185 = arith.muli %add3A_172, %mul3A_184 : i32
      %add3A_186 = arith.constant 96 : i32
      %add3A_187 = arith.addi %mul3A_185, %add3A_186 : i32
      %dma_wait3A_188 = arith.constant 0 : i32
      %dma_wait3A_189 = arith.constant 96 : i32
      %dma_wait3A_190 = arith.constant 0 : i32
      %dma_wait3A_191 = tpu.memref_slice %arg6[%dma_wait3A_188, %dma_wait3A_189, %dma_wait3A_190] : memref<4x200x64xf32, #tpu.memory_space<vmem>> -> memref<1x104x64xf32, #tpu.memory_space<vmem>>
      %dma_wait3A_192 = tpu.memref_squeeze %dma_wait3A_191 : memref<1x104x64xf32, #tpu.memory_space<vmem>> -> memref<104x64xf32, #tpu.memory_space<vmem>>
      %dma_wait3A_193 = tpu.memref_slice %arg5[%add3A_187] : memref<25600xi32, #tpu.memory_space<vmem>> -> memref<104xi32, #tpu.memory_space<vmem>>
      %dma_wait3A_194 = arith.constant 0 : i32
      %dma_wait3A_195 = arith.constant 0 : i32
      %dma_wait3A_196 = tpu.memref_slice %arg3[%dma_wait3A_194, %dma_wait3A_195] : memref<100000x64xf32, #tpu.memory_space<hbm>> -> memref<100000x64xf32, #tpu.memory_space<hbm>>
      tpu.wait_indirect_dma semaphore(%arg8 : memref<!tpu.dma_semaphore, #tpu.memory_space<semaphore_mem>>) src(%dma_wait3A_196 : memref<100000x64xf32, #tpu.memory_space<hbm>>) dst(%dma_wait3A_192 : memref<104x64xf32, #tpu.memory_space<vmem>>)
      %broadcast_in_dim3A = arith.constant 0.000000e+00 : f32
      %broadcast_in_dim3A_197 = vector.broadcast %broadcast_in_dim3A : f32 to vector<16xf32>
      %broadcast_in_dim3A_198 = arith.constant 0.000000e+00 : f32
      %broadcast_in_dim3A_199 = vector.broadcast %broadcast_in_dim3A_198 : f32 to vector<16xf32>
      %broadcast_in_dim3A_200 = arith.constant 0.000000e+00 : f32
      %broadcast_in_dim3A_201 = vector.broadcast %broadcast_in_dim3A_200 : f32 to vector<16xf32>
      %broadcast_in_dim3A_202 = arith.constant 0.000000e+00 : f32
      %broadcast_in_dim3A_203 = vector.broadcast %broadcast_in_dim3A_202 : f32 to vector<16xf32>
      %scan3A_204 = arith.constant 0 : i32
      %scan3A_205 = arith.constant 200 : i32
      %scan3A_206 = arith.addi %scan3A_204, %scan3A_205 : i32
      %scan3A_207 = arith.constant 8 : i32
      %scan3A_208:4 = scf.for %scan3A_536 = %scan3A_204 to %scan3A_206 step %scan3A_207 iter_args(%scan3A_537 = %broadcast_in_dim3A_197, %scan3A_538 = %broadcast_in_dim3A_199, %scan3A_539 = %broadcast_in_dim3A_201, %scan3A_540 = %broadcast_in_dim3A_203) -> (vector<16xf32>, vector<16xf32>, vector<16xf32>, vector<16xf32>)  : i32 {
        %get3A = arith.constant 0 : i32
        %get3A_541 = arith.index_cast %get3A : i32 to index
        %get3A_542 = arith.index_cast %scan3A_536 : i32 to index
        %get3A_543 = arith.constant 0 : index
        %get3A_544 = tpu.vector_load %arg6[%get3A_541, %get3A_542, %get3A_543] {strides = array<i32>} : memref<4x200x64xf32, #tpu.memory_space<vmem>>, vector<16xf32>,
        %add3A_545 = arith.addf %scan3A_537, %get3A_544 : vector<16xf32>
        %get3A_546 = arith.constant 0 : i32
        %get3A_547 = arith.index_cast %get3A_546 : i32 to index
        %get3A_548 = arith.index_cast %scan3A_536 : i32 to index
        %get3A_549 = arith.constant 16 : index
        %get3A_550 = tpu.vector_load %arg6[%get3A_547, %get3A_548, %get3A_549] {strides = array<i32>} : memref<4x200x64xf32, #tpu.memory_space<vmem>>, vector<16xf32>,
        %add3A_551 = arith.addf %scan3A_538, %get3A_550 : vector<16xf32>
        %get3A_552 = arith.constant 0 : i32
        %get3A_553 = arith.index_cast %get3A_552 : i32 to index
        %get3A_554 = arith.index_cast %scan3A_536 : i32 to index
        %get3A_555 = arith.constant 32 : index
        %get3A_556 = tpu.vector_load %arg6[%get3A_553, %get3A_554, %get3A_555] {strides = array<i32>} : memref<4x200x64xf32, #tpu.memory_space<vmem>>, vector<16xf32>,
        %add3A_557 = arith.addf %scan3A_539, %get3A_556 : vector<16xf32>
        %get3A_558 = arith.constant 0 : i32
        %get3A_559 = arith.index_cast %get3A_558 : i32 to index
        %get3A_560 = arith.index_cast %scan3A_536 : i32 to index
        %get3A_561 = arith.constant 48 : index
        %get3A_562 = tpu.vector_load %arg6[%get3A_559, %get3A_560, %get3A_561] {strides = array<i32>} : memref<4x200x64xf32, #tpu.memory_space<vmem>>, vector<16xf32>,
        %add3A_563 = arith.addf %scan3A_540, %get3A_562 : vector<16xf32>
        %scan3A_564 = arith.constant 1 : i32
        %scan3A_565 = arith.addi %scan3A_536, %scan3A_564 : i32
        %get3A_566 = arith.constant 0 : i32
        %get3A_567 = arith.index_cast %get3A_566 : i32 to index
        %get3A_568 = arith.index_cast %scan3A_565 : i32 to index
        %get3A_569 = arith.constant 0 : index
        %get3A_570 = tpu.vector_load %arg6[%get3A_567, %get3A_568, %get3A_569] {strides = array<i32>} : memref<4x200x64xf32, #tpu.memory_space<vmem>>, vector<16xf32>,
        %add3A_571 = arith.addf %add3A_545, %get3A_570 : vector<16xf32>
        %get3A_572 = arith.constant 0 : i32
        %get3A_573 = arith.index_cast %get3A_572 : i32 to index
        %get3A_574 = arith.index_cast %scan3A_565 : i32 to index
        %get3A_575 = arith.constant 16 : index
        %get3A_576 = tpu.vector_load %arg6[%get3A_573, %get3A_574, %get3A_575] {strides = array<i32>} : memref<4x200x64xf32, #tpu.memory_space<vmem>>, vector<16xf32>,
        %add3A_577 = arith.addf %add3A_551, %get3A_576 : vector<16xf32>
        %get3A_578 = arith.constant 0 : i32
        %get3A_579 = arith.index_cast %get3A_578 : i32 to index
        %get3A_580 = arith.index_cast %scan3A_565 : i32 to index
        %get3A_581 = arith.constant 32 : index
        %get3A_582 = tpu.vector_load %arg6[%get3A_579, %get3A_580, %get3A_581] {strides = array<i32>} : memref<4x200x64xf32, #tpu.memory_space<vmem>>, vector<16xf32>,
        %add3A_583 = arith.addf %add3A_557, %get3A_582 : vector<16xf32>
        %get3A_584 = arith.constant 0 : i32
        %get3A_585 = arith.index_cast %get3A_584 : i32 to index
        %get3A_586 = arith.index_cast %scan3A_565 : i32 to index
        %get3A_587 = arith.constant 48 : index
        %get3A_588 = tpu.vector_load %arg6[%get3A_585, %get3A_586, %get3A_587] {strides = array<i32>} : memref<4x200x64xf32, #tpu.memory_space<vmem>>, vector<16xf32>,
        %add3A_589 = arith.addf %add3A_563, %get3A_588 : vector<16xf32>
        %scan3A_590 = arith.constant 2 : i32
        %scan3A_591 = arith.addi %scan3A_536, %scan3A_590 : i32
        %get3A_592 = arith.constant 0 : i32
        %get3A_593 = arith.index_cast %get3A_592 : i32 to index
        %get3A_594 = arith.index_cast %scan3A_591 : i32 to index
        %get3A_595 = arith.constant 0 : index
        %get3A_596 = tpu.vector_load %arg6[%get3A_593, %get3A_594, %get3A_595] {strides = array<i32>} : memref<4x200x64xf32, #tpu.memory_space<vmem>>, vector<16xf32>,
        %add3A_597 = arith.addf %add3A_571, %get3A_596 : vector<16xf32>
        %get3A_598 = arith.constant 0 : i32
        %get3A_599 = arith.index_cast %get3A_598 : i32 to index
        %get3A_600 = arith.index_cast %scan3A_591 : i32 to index
        %get3A_601 = arith.constant 16 : index
        %get3A_602 = tpu.vector_load %arg6[%get3A_599, %get3A_600, %get3A_601] {strides = array<i32>} : memref<4x200x64xf32, #tpu.memory_space<vmem>>, vector<16xf32>,
        %add3A_603 = arith.addf %add3A_577, %get3A_602 : vector<16xf32>
        %get3A_604 = arith.constant 0 : i32
        %get3A_605 = arith.index_cast %get3A_604 : i32 to index
        %get3A_606 = arith.index_cast %scan3A_591 : i32 to index
        %get3A_607 = arith.constant 32 : index
        %get3A_608 = tpu.vector_load %arg6[%get3A_605, %get3A_606, %get3A_607] {strides = array<i32>} : memref<4x200x64xf32, #tpu.memory_space<vmem>>, vector<16xf32>,
        %add3A_609 = arith.addf %add3A_583, %get3A_608 : vector<16xf32>
        %get3A_610 = arith.constant 0 : i32
        %get3A_611 = arith.index_cast %get3A_610 : i32 to index
        %get3A_612 = arith.index_cast %scan3A_591 : i32 to index
        %get3A_613 = arith.constant 48 : index
        %get3A_614 = tpu.vector_load %arg6[%get3A_611, %get3A_612, %get3A_613] {strides = array<i32>} : memref<4x200x64xf32, #tpu.memory_space<vmem>>, vector<16xf32>,
        %add3A_615 = arith.addf %add3A_589, %get3A_614 : vector<16xf32>
        %scan3A_616 = arith.constant 3 : i32
        %scan3A_617 = arith.addi %scan3A_536, %scan3A_616 : i32
        %get3A_618 = arith.constant 0 : i32
        %get3A_619 = arith.index_cast %get3A_618 : i32 to index
        %get3A_620 = arith.index_cast %scan3A_617 : i32 to index
        %get3A_621 = arith.constant 0 : index
        %get3A_622 = tpu.vector_load %arg6[%get3A_619, %get3A_620, %get3A_621] {strides = array<i32>} : memref<4x200x64xf32, #tpu.memory_space<vmem>>, vector<16xf32>,
        %add3A_623 = arith.addf %add3A_597, %get3A_622 : vector<16xf32>
        %get3A_624 = arith.constant 0 : i32
        %get3A_625 = arith.index_cast %get3A_624 : i32 to index
        %get3A_626 = arith.index_cast %scan3A_617 : i32 to index
        %get3A_627 = arith.constant 16 : index
        %get3A_628 = tpu.vector_load %arg6[%get3A_625, %get3A_626, %get3A_627] {strides = array<i32>} : memref<4x200x64xf32, #tpu.memory_space<vmem>>, vector<16xf32>,
        %add3A_629 = arith.addf %add3A_603, %get3A_628 : vector<16xf32>
        %get3A_630 = arith.constant 0 : i32
        %get3A_631 = arith.index_cast %get3A_630 : i32 to index
        %get3A_632 = arith.index_cast %scan3A_617 : i32 to index
        %get3A_633 = arith.constant 32 : index
        %get3A_634 = tpu.vector_load %arg6[%get3A_631, %get3A_632, %get3A_633] {strides = array<i32>} : memref<4x200x64xf32, #tpu.memory_space<vmem>>, vector<16xf32>,
        %add3A_635 = arith.addf %add3A_609, %get3A_634 : vector<16xf32>
        %get3A_636 = arith.constant 0 : i32
        %get3A_637 = arith.index_cast %get3A_636 : i32 to index
        %get3A_638 = arith.index_cast %scan3A_617 : i32 to index
        %get3A_639 = arith.constant 48 : index
        %get3A_640 = tpu.vector_load %arg6[%get3A_637, %get3A_638, %get3A_639] {strides = array<i32>} : memref<4x200x64xf32, #tpu.memory_space<vmem>>, vector<16xf32>,
        %add3A_641 = arith.addf %add3A_615, %get3A_640 : vector<16xf32>
        %scan3A_642 = arith.constant 4 : i32
        %scan3A_643 = arith.addi %scan3A_536, %scan3A_642 : i32
        %get3A_644 = arith.constant 0 : i32
        %get3A_645 = arith.index_cast %get3A_644 : i32 to index
        %get3A_646 = arith.index_cast %scan3A_643 : i32 to index
        %get3A_647 = arith.constant 0 : index
        %get3A_648 = tpu.vector_load %arg6[%get3A_645, %get3A_646, %get3A_647] {strides = array<i32>} : memref<4x200x64xf32, #tpu.memory_space<vmem>>, vector<16xf32>,
        %add3A_649 = arith.addf %add3A_623, %get3A_648 : vector<16xf32>
        %get3A_650 = arith.constant 0 : i32
        %get3A_651 = arith.index_cast %get3A_650 : i32 to index
        %get3A_652 = arith.index_cast %scan3A_643 : i32 to index
        %get3A_653 = arith.constant 16 : index
        %get3A_654 = tpu.vector_load %arg6[%get3A_651, %get3A_652, %get3A_653] {strides = array<i32>} : memref<4x200x64xf32, #tpu.memory_space<vmem>>, vector<16xf32>,
        %add3A_655 = arith.addf %add3A_629, %get3A_654 : vector<16xf32>
        %get3A_656 = arith.constant 0 : i32
        %get3A_657 = arith.index_cast %get3A_656 : i32 to index
        %get3A_658 = arith.index_cast %scan3A_643 : i32 to index
        %get3A_659 = arith.constant 32 : index
        %get3A_660 = tpu.vector_load %arg6[%get3A_657, %get3A_658, %get3A_659] {strides = array<i32>} : memref<4x200x64xf32, #tpu.memory_space<vmem>>, vector<16xf32>,
        %add3A_661 = arith.addf %add3A_635, %get3A_660 : vector<16xf32>
        %get3A_662 = arith.constant 0 : i32
        %get3A_663 = arith.index_cast %get3A_662 : i32 to index
        %get3A_664 = arith.index_cast %scan3A_643 : i32 to index
        %get3A_665 = arith.constant 48 : index
        %get3A_666 = tpu.vector_load %arg6[%get3A_663, %get3A_664, %get3A_665] {strides = array<i32>} : memref<4x200x64xf32, #tpu.memory_space<vmem>>, vector<16xf32>,
        %add3A_667 = arith.addf %add3A_641, %get3A_666 : vector<16xf32>
        %scan3A_668 = arith.constant 5 : i32
        %scan3A_669 = arith.addi %scan3A_536, %scan3A_668 : i32
        %get3A_670 = arith.constant 0 : i32
        %get3A_671 = arith.index_cast %get3A_670 : i32 to index
        %get3A_672 = arith.index_cast %scan3A_669 : i32 to index
        %get3A_673 = arith.constant 0 : index
        %get3A_674 = tpu.vector_load %arg6[%get3A_671, %get3A_672, %get3A_673] {strides = array<i32>} : memref<4x200x64xf32, #tpu.memory_space<vmem>>, vector<16xf32>,
        %add3A_675 = arith.addf %add3A_649, %get3A_674 : vector<16xf32>
        %get3A_676 = arith.constant 0 : i32
        %get3A_677 = arith.index_cast %get3A_676 : i32 to index
        %get3A_678 = arith.index_cast %scan3A_669 : i32 to index
        %get3A_679 = arith.constant 16 : index
        %get3A_680 = tpu.vector_load %arg6[%get3A_677, %get3A_678, %get3A_679] {strides = array<i32>} : memref<4x200x64xf32, #tpu.memory_space<vmem>>, vector<16xf32>,
        %add3A_681 = arith.addf %add3A_655, %get3A_680 : vector<16xf32>
        %get3A_682 = arith.constant 0 : i32
        %get3A_683 = arith.index_cast %get3A_682 : i32 to index
        %get3A_684 = arith.index_cast %scan3A_669 : i32 to index
        %get3A_685 = arith.constant 32 : index
        %get3A_686 = tpu.vector_load %arg6[%get3A_683, %get3A_684, %get3A_685] {strides = array<i32>} : memref<4x200x64xf32, #tpu.memory_space<vmem>>, vector<16xf32>,
        %add3A_687 = arith.addf %add3A_661, %get3A_686 : vector<16xf32>
        %get3A_688 = arith.constant 0 : i32
        %get3A_689 = arith.index_cast %get3A_688 : i32 to index
        %get3A_690 = arith.index_cast %scan3A_669 : i32 to index
        %get3A_691 = arith.constant 48 : index
        %get3A_692 = tpu.vector_load %arg6[%get3A_689, %get3A_690, %get3A_691] {strides = array<i32>} : memref<4x200x64xf32, #tpu.memory_space<vmem>>, vector<16xf32>,
        %add3A_693 = arith.addf %add3A_667, %get3A_692 : vector<16xf32>
        %scan3A_694 = arith.constant 6 : i32
        %scan3A_695 = arith.addi %scan3A_536, %scan3A_694 : i32
        %get3A_696 = arith.constant 0 : i32
        %get3A_697 = arith.index_cast %get3A_696 : i32 to index
        %get3A_698 = arith.index_cast %scan3A_695 : i32 to index
        %get3A_699 = arith.constant 0 : index
        %get3A_700 = tpu.vector_load %arg6[%get3A_697, %get3A_698, %get3A_699] {strides = array<i32>} : memref<4x200x64xf32, #tpu.memory_space<vmem>>, vector<16xf32>,
        %add3A_701 = arith.addf %add3A_675, %get3A_700 : vector<16xf32>
        %get3A_702 = arith.constant 0 : i32
        %get3A_703 = arith.index_cast %get3A_702 : i32 to index
        %get3A_704 = arith.index_cast %scan3A_695 : i32 to index
        %get3A_705 = arith.constant 16 : index
        %get3A_706 = tpu.vector_load %arg6[%get3A_703, %get3A_704, %get3A_705] {strides = array<i32>} : memref<4x200x64xf32, #tpu.memory_space<vmem>>, vector<16xf32>,
        %add3A_707 = arith.addf %add3A_681, %get3A_706 : vector<16xf32>
        %get3A_708 = arith.constant 0 : i32
        %get3A_709 = arith.index_cast %get3A_708 : i32 to index
        %get3A_710 = arith.index_cast %scan3A_695 : i32 to index
        %get3A_711 = arith.constant 32 : index
        %get3A_712 = tpu.vector_load %arg6[%get3A_709, %get3A_710, %get3A_711] {strides = array<i32>} : memref<4x200x64xf32, #tpu.memory_space<vmem>>, vector<16xf32>,
        %add3A_713 = arith.addf %add3A_687, %get3A_712 : vector<16xf32>
        %get3A_714 = arith.constant 0 : i32
        %get3A_715 = arith.index_cast %get3A_714 : i32 to index
        %get3A_716 = arith.index_cast %scan3A_695 : i32 to index
        %get3A_717 = arith.constant 48 : index
        %get3A_718 = tpu.vector_load %arg6[%get3A_715, %get3A_716, %get3A_717] {strides = array<i32>} : memref<4x200x64xf32, #tpu.memory_space<vmem>>, vector<16xf32>,
        %add3A_719 = arith.addf %add3A_693, %get3A_718 : vector<16xf32>
        %scan3A_720 = arith.constant 7 : i32
        %scan3A_721 = arith.addi %scan3A_536, %scan3A_720 : i32
        %get3A_722 = arith.constant 0 : i32
        %get3A_723 = arith.index_cast %get3A_722 : i32 to index
        %get3A_724 = arith.index_cast %scan3A_721 : i32 to index
        %get3A_725 = arith.constant 0 : index
        %get3A_726 = tpu.vector_load %arg6[%get3A_723, %get3A_724, %get3A_725] {strides = array<i32>} : memref<4x200x64xf32, #tpu.memory_space<vmem>>, vector<16xf32>,
        %add3A_727 = arith.addf %add3A_701, %get3A_726 : vector<16xf32>
        %get3A_728 = arith.constant 0 : i32
        %get3A_729 = arith.index_cast %get3A_728 : i32 to index
        %get3A_730 = arith.index_cast %scan3A_721 : i32 to index
        %get3A_731 = arith.constant 16 : index
        %get3A_732 = tpu.vector_load %arg6[%get3A_729, %get3A_730, %get3A_731] {strides = array<i32>} : memref<4x200x64xf32, #tpu.memory_space<vmem>>, vector<16xf32>,
        %add3A_733 = arith.addf %add3A_707, %get3A_732 : vector<16xf32>
        %get3A_734 = arith.constant 0 : i32
        %get3A_735 = arith.index_cast %get3A_734 : i32 to index
        %get3A_736 = arith.index_cast %scan3A_721 : i32 to index
        %get3A_737 = arith.constant 32 : index
        %get3A_738 = tpu.vector_load %arg6[%get3A_735, %get3A_736, %get3A_737] {strides = array<i32>} : memref<4x200x64xf32, #tpu.memory_space<vmem>>, vector<16xf32>,
        %add3A_739 = arith.addf %add3A_713, %get3A_738 : vector<16xf32>
        %get3A_740 = arith.constant 0 : i32
        %get3A_741 = arith.index_cast %get3A_740 : i32 to index
        %get3A_742 = arith.index_cast %scan3A_721 : i32 to index
        %get3A_743 = arith.constant 48 : index
        %get3A_744 = tpu.vector_load %arg6[%get3A_741, %get3A_742, %get3A_743] {strides = array<i32>} : memref<4x200x64xf32, #tpu.memory_space<vmem>>, vector<16xf32>,
        %add3A_745 = arith.addf %add3A_719, %get3A_744 : vector<16xf32>
        scf.yield %add3A_727, %add3A_733, %add3A_739, %add3A_745 : vector<16xf32>, vector<16xf32>, vector<16xf32>, vector<16xf32>
      }
      %scan3A_209 = arith.constant 200 : i32
      %mul3A_210 = arith.constant 5.000000e-03 : f32
      %mul3A_211 = vector.broadcast %mul3A_210 : f32 to vector<16xf32>
      %mul3A_212 = arith.mulf %scan3A_208#0, %mul3A_211 : vector<16xf32>
      %swap3A = arith.index_cast %add3A_172 : i32 to index
      %swap3A_213 = arith.constant 0 : index
      %swap3A_214 = tpu.vector_load %arg7[%swap3A, %swap3A_213] {strides = array<i32>} : memref<128x64xf32, #tpu.memory_space<vmem>>, vector<16xf32>,
      tpu.vector_store %arg7[%swap3A, %swap3A_213], %mul3A_212 {strides = array<i32>} : memref<128x64xf32, #tpu.memory_space<vmem>>, vector<16xf32>,
      %mul3A_215 = arith.constant 5.000000e-03 : f32
      %mul3A_216 = vector.broadcast %mul3A_215 : f32 to vector<16xf32>
      %mul3A_217 = arith.mulf %scan3A_208#1, %mul3A_216 : vector<16xf32>
      %swap3A_218 = arith.index_cast %add3A_172 : i32 to index
      %swap3A_219 = arith.constant 16 : index
      %swap3A_220 = tpu.vector_load %arg7[%swap3A_218, %swap3A_219] {strides = array<i32>} : memref<128x64xf32, #tpu.memory_space<vmem>>, vector<16xf32>,
      tpu.vector_store %arg7[%swap3A_218, %swap3A_219], %mul3A_217 {strides = array<i32>} : memref<128x64xf32, #tpu.memory_space<vmem>>, vector<16xf32>,
      %mul3A_221 = arith.constant 5.000000e-03 : f32
      %mul3A_222 = vector.broadcast %mul3A_221 : f32 to vector<16xf32>
      %mul3A_223 = arith.mulf %scan3A_208#2, %mul3A_222 : vector<16xf32>
      %swap3A_224 = arith.index_cast %add3A_172 : i32 to index
      %swap3A_225 = arith.constant 32 : index
      %swap3A_226 = tpu.vector_load %arg7[%swap3A_224, %swap3A_225] {strides = array<i32>} : memref<128x64xf32, #tpu.memory_space<vmem>>, vector<16xf32>,
      tpu.vector_store %arg7[%swap3A_224, %swap3A_225], %mul3A_223 {strides = array<i32>} : memref<128x64xf32, #tpu.memory_space<vmem>>, vector<16xf32>,
      %mul3A_227 = arith.constant 5.000000e-03 : f32
      %mul3A_228 = vector.broadcast %mul3A_227 : f32 to vector<16xf32>
      %mul3A_229 = arith.mulf %scan3A_208#3, %mul3A_228 : vector<16xf32>
      %swap3A_230 = arith.index_cast %add3A_172 : i32 to index
      %swap3A_231 = arith.constant 48 : index
      %swap3A_232 = tpu.vector_load %arg7[%swap3A_230, %swap3A_231] {strides = array<i32>} : memref<128x64xf32, #tpu.memory_space<vmem>>, vector<16xf32>,
      tpu.vector_store %arg7[%swap3A_230, %swap3A_231], %mul3A_229 {strides = array<i32>} : memref<128x64xf32, #tpu.memory_space<vmem>>, vector<16xf32>,
      %add3A_233 = arith.constant 4 : i32
      %add3A_234 = arith.addi %add3A_172, %add3A_233 : i32
      %rem3A = arith.constant 128 : i32
      %rem3A_235 = arith.remsi %add3A_234, %rem3A : i32
      %mul3A_236 = arith.constant 200 : i32
      %mul3A_237 = arith.muli %rem3A_235, %mul3A_236 : i32
      %dma_start3A_238 = arith.constant 0 : i32
      %dma_start3A_239 = arith.constant 0 : i32
      %dma_start3A_240 = arith.constant 0 : i32
      %dma_start3A_241 = tpu.memref_slice %arg6[%dma_start3A_238, %dma_start3A_239, %dma_start3A_240] : memref<4x200x64xf32, #tpu.memory_space<vmem>> -> memref<1x96x64xf32, #tpu.memory_space<vmem>>
      %dma_start3A_242 = tpu.memref_squeeze %dma_start3A_241 : memref<1x96x64xf32, #tpu.memory_space<vmem>> -> memref<96x64xf32, #tpu.memory_space<vmem>>
      %dma_start3A_243 = tpu.memref_slice %arg5[%mul3A_237] : memref<25600xi32, #tpu.memory_space<vmem>> -> memref<96xi32, #tpu.memory_space<vmem>>
      %dma_start3A_244 = arith.constant 0 : i32
      %dma_start3A_245 = arith.constant 0 : i32
      %dma_start3A_246 = tpu.memref_slice %arg3[%dma_start3A_244, %dma_start3A_245] : memref<100000x64xf32, #tpu.memory_space<hbm>> -> memref<100000x64xf32, #tpu.memory_space<hbm>>
      tpu.enqueue_indirect_dma source(%dma_start3A_246 : memref<100000x64xf32, #tpu.memory_space<hbm>>) target(%dma_start3A_242 : memref<96x64xf32, #tpu.memory_space<vmem>>) offsets(%dma_start3A_243 : memref<96xi32, #tpu.memory_space<vmem>>) semaphore(%arg8 : memref<!tpu.dma_semaphore, #tpu.memory_space<semaphore_mem>>)
      %mul3A_247 = arith.constant 200 : i32
      %mul3A_248 = arith.muli %rem3A_235, %mul3A_247 : i32
      %add3A_249 = arith.constant 96 : i32
      %add3A_250 = arith.addi %mul3A_248, %add3A_249 : i32
      %dma_start3A_251 = arith.constant 0 : i32
      %dma_start3A_252 = arith.constant 96 : i32
      %dma_start3A_253 = arith.constant 0 : i32
      %dma_start3A_254 = tpu.memref_slice %arg6[%dma_start3A_251, %dma_start3A_252, %dma_start3A_253] : memref<4x200x64xf32, #tpu.memory_space<vmem>> -> memref<1x104x64xf32, #tpu.memory_space<vmem>>
      %dma_start3A_255 = tpu.memref_squeeze %dma_start3A_254 : memref<1x104x64xf32, #tpu.memory_space<vmem>> -> memref<104x64xf32, #tpu.memory_space<vmem>>
      %dma_start3A_256 = tpu.memref_slice %arg5[%add3A_250] : memref<25600xi32, #tpu.memory_space<vmem>> -> memref<104xi32, #tpu.memory_space<vmem>>
      %dma_start3A_257 = arith.constant 0 : i32
      %dma_start3A_258 = arith.constant 0 : i32
      %dma_start3A_259 = tpu.memref_slice %arg3[%dma_start3A_257, %dma_start3A_258] : memref<100000x64xf32, #tpu.memory_space<hbm>> -> memref<100000x64xf32, #tpu.memory_space<hbm>>
      tpu.enqueue_indirect_dma source(%dma_start3A_259 : memref<100000x64xf32, #tpu.memory_space<hbm>>) target(%dma_start3A_255 : memref<104x64xf32, #tpu.memory_space<vmem>>) offsets(%dma_start3A_256 : memref<104xi32, #tpu.memory_space<vmem>>) semaphore(%arg8 : memref<!tpu.dma_semaphore, #tpu.memory_space<semaphore_mem>>)
      %add3A_260 = arith.constant 1 : i32
      %add3A_261 = arith.addi %mul3A_170, %add3A_260 : i32
      %mul3A_262 = arith.constant 200 : i32
      %mul3A_263 = arith.muli %add3A_261, %mul3A_262 : i32
      %dma_wait3A_264 = arith.constant 1 : i32
      %dma_wait3A_265 = arith.constant 0 : i32
      %dma_wait3A_266 = arith.constant 0 : i32
      %dma_wait3A_267 = tpu.memref_slice %arg6[%dma_wait3A_264, %dma_wait3A_265, %dma_wait3A_266] : memref<4x200x64xf32, #tpu.memory_space<vmem>> -> memref<1x96x64xf32, #tpu.memory_space<vmem>>
      %dma_wait3A_268 = tpu.memref_squeeze %dma_wait3A_267 : memref<1x96x64xf32, #tpu.memory_space<vmem>> -> memref<96x64xf32, #tpu.memory_space<vmem>>
      %dma_wait3A_269 = tpu.memref_slice %arg5[%mul3A_263] : memref<25600xi32, #tpu.memory_space<vmem>> -> memref<96xi32, #tpu.memory_space<vmem>>
      %dma_wait3A_270 = arith.constant 0 : i32
      %dma_wait3A_271 = arith.constant 0 : i32
      %dma_wait3A_272 = tpu.memref_slice %arg3[%dma_wait3A_270, %dma_wait3A_271] : memref<100000x64xf32, #tpu.memory_space<hbm>> -> memref<100000x64xf32, #tpu.memory_space<hbm>>
      tpu.wait_indirect_dma semaphore(%arg9 : memref<!tpu.dma_semaphore, #tpu.memory_space<semaphore_mem>>) src(%dma_wait3A_272 : memref<100000x64xf32, #tpu.memory_space<hbm>>) dst(%dma_wait3A_268 : memref<96x64xf32, #tpu.memory_space<vmem>>)
      %mul3A_273 = arith.constant 200 : i32
      %mul3A_274 = arith.muli %add3A_261, %mul3A_273 : i32
      %add3A_275 = arith.constant 96 : i32
      %add3A_276 = arith.addi %mul3A_274, %add3A_275 : i32
      %dma_wait3A_277 = arith.constant 1 : i32
      %dma_wait3A_278 = arith.constant 96 : i32
      %dma_wait3A_279 = arith.constant 0 : i32
      %dma_wait3A_280 = tpu.memref_slice %arg6[%dma_wait3A_277, %dma_wait3A_278, %dma_wait3A_279] : memref<4x200x64xf32, #tpu.memory_space<vmem>> -> memref<1x104x64xf32, #tpu.memory_space<vmem>>
      %dma_wait3A_281 = tpu.memref_squeeze %dma_wait3A_280 : memref<1x104x64xf32, #tpu.memory_space<vmem>> -> memref<104x64xf32, #tpu.memory_space<vmem>>
      %dma_wait3A_282 = tpu.memref_slice %arg5[%add3A_276] : memref<25600xi32, #tpu.memory_space<vmem>> -> memref<104xi32, #tpu.memory_space<vmem>>
      %dma_wait3A_283 = arith.constant 0 : i32
      %dma_wait3A_284 = arith.constant 0 : i32
      %dma_wait3A_285 = tpu.memref_slice %arg3[%dma_wait3A_283, %dma_wait3A_284] : memref<100000x64xf32, #tpu.memory_space<hbm>> -> memref<100000x64xf32, #tpu.memory_space<hbm>>
      tpu.wait_indirect_dma semaphore(%arg9 : memref<!tpu.dma_semaphore, #tpu.memory_space<semaphore_mem>>) src(%dma_wait3A_285 : memref<100000x64xf32, #tpu.memory_space<hbm>>) dst(%dma_wait3A_281 : memref<104x64xf32, #tpu.memory_space<vmem>>)
      %broadcast_in_dim3A_286 = arith.constant 0.000000e+00 : f32
      %broadcast_in_dim3A_287 = vector.broadcast %broadcast_in_dim3A_286 : f32 to vector<16xf32>
      %broadcast_in_dim3A_288 = arith.constant 0.000000e+00 : f32
      %broadcast_in_dim3A_289 = vector.broadcast %broadcast_in_dim3A_288 : f32 to vector<16xf32>
      %broadcast_in_dim3A_290 = arith.constant 0.000000e+00 : f32
      %broadcast_in_dim3A_291 = vector.broadcast %broadcast_in_dim3A_290 : f32 to vector<16xf32>
      %broadcast_in_dim3A_292 = arith.constant 0.000000e+00 : f32
      %broadcast_in_dim3A_293 = vector.broadcast %broadcast_in_dim3A_292 : f32 to vector<16xf32>
      %scan3A_294 = arith.constant 0 : i32
      %scan3A_295 = arith.constant 200 : i32
      %scan3A_296 = arith.addi %scan3A_294, %scan3A_295 : i32
      %scan3A_297 = arith.constant 8 : i32
      %scan3A_298:4 = scf.for %scan3A_536 = %scan3A_294 to %scan3A_296 step %scan3A_297 iter_args(%scan3A_537 = %broadcast_in_dim3A_287, %scan3A_538 = %broadcast_in_dim3A_289, %scan3A_539 = %broadcast_in_dim3A_291, %scan3A_540 = %broadcast_in_dim3A_293) -> (vector<16xf32>, vector<16xf32>, vector<16xf32>, vector<16xf32>)  : i32 {
        %get3A = arith.constant 1 : i32
        %get3A_541 = arith.index_cast %get3A : i32 to index
        %get3A_542 = arith.index_cast %scan3A_536 : i32 to index
        %get3A_543 = arith.constant 0 : index
        %get3A_544 = tpu.vector_load %arg6[%get3A_541, %get3A_542, %get3A_543] {strides = array<i32>} : memref<4x200x64xf32, #tpu.memory_space<vmem>>, vector<16xf32>,
        %add3A_545 = arith.addf %scan3A_537, %get3A_544 : vector<16xf32>
        %get3A_546 = arith.constant 1 : i32
        %get3A_547 = arith.index_cast %get3A_546 : i32 to index
        %get3A_548 = arith.index_cast %scan3A_536 : i32 to index
        %get3A_549 = arith.constant 16 : index
        %get3A_550 = tpu.vector_load %arg6[%get3A_547, %get3A_548, %get3A_549] {strides = array<i32>} : memref<4x200x64xf32, #tpu.memory_space<vmem>>, vector<16xf32>,
        %add3A_551 = arith.addf %scan3A_538, %get3A_550 : vector<16xf32>
        %get3A_552 = arith.constant 1 : i32
        %get3A_553 = arith.index_cast %get3A_552 : i32 to index
        %get3A_554 = arith.index_cast %scan3A_536 : i32 to index
        %get3A_555 = arith.constant 32 : index
        %get3A_556 = tpu.vector_load %arg6[%get3A_553, %get3A_554, %get3A_555] {strides = array<i32>} : memref<4x200x64xf32, #tpu.memory_space<vmem>>, vector<16xf32>,
        %add3A_557 = arith.addf %scan3A_539, %get3A_556 : vector<16xf32>
        %get3A_558 = arith.constant 1 : i32
        %get3A_559 = arith.index_cast %get3A_558 : i32 to index
        %get3A_560 = arith.index_cast %scan3A_536 : i32 to index
        %get3A_561 = arith.constant 48 : index
        %get3A_562 = tpu.vector_load %arg6[%get3A_559, %get3A_560, %get3A_561] {strides = array<i32>} : memref<4x200x64xf32, #tpu.memory_space<vmem>>, vector<16xf32>,
        %add3A_563 = arith.addf %scan3A_540, %get3A_562 : vector<16xf32>
        %scan3A_564 = arith.constant 1 : i32
        %scan3A_565 = arith.addi %scan3A_536, %scan3A_564 : i32
        %get3A_566 = arith.constant 1 : i32
        %get3A_567 = arith.index_cast %get3A_566 : i32 to index
        %get3A_568 = arith.index_cast %scan3A_565 : i32 to index
        %get3A_569 = arith.constant 0 : index
        %get3A_570 = tpu.vector_load %arg6[%get3A_567, %get3A_568, %get3A_569] {strides = array<i32>} : memref<4x200x64xf32, #tpu.memory_space<vmem>>, vector<16xf32>,
        %add3A_571 = arith.addf %add3A_545, %get3A_570 : vector<16xf32>
        %get3A_572 = arith.constant 1 : i32
        %get3A_573 = arith.index_cast %get3A_572 : i32 to index
        %get3A_574 = arith.index_cast %scan3A_565 : i32 to index
        %get3A_575 = arith.constant 16 : index
        %get3A_576 = tpu.vector_load %arg6[%get3A_573, %get3A_574, %get3A_575] {strides = array<i32>} : memref<4x200x64xf32, #tpu.memory_space<vmem>>, vector<16xf32>,
        %add3A_577 = arith.addf %add3A_551, %get3A_576 : vector<16xf32>
        %get3A_578 = arith.constant 1 : i32
        %get3A_579 = arith.index_cast %get3A_578 : i32 to index
        %get3A_580 = arith.index_cast %scan3A_565 : i32 to index
        %get3A_581 = arith.constant 32 : index
        %get3A_582 = tpu.vector_load %arg6[%get3A_579, %get3A_580, %get3A_581] {strides = array<i32>} : memref<4x200x64xf32, #tpu.memory_space<vmem>>, vector<16xf32>,
        %add3A_583 = arith.addf %add3A_557, %get3A_582 : vector<16xf32>
        %get3A_584 = arith.constant 1 : i32
        %get3A_585 = arith.index_cast %get3A_584 : i32 to index
        %get3A_586 = arith.index_cast %scan3A_565 : i32 to index
        %get3A_587 = arith.constant 48 : index
        %get3A_588 = tpu.vector_load %arg6[%get3A_585, %get3A_586, %get3A_587] {strides = array<i32>} : memref<4x200x64xf32, #tpu.memory_space<vmem>>, vector<16xf32>,
        %add3A_589 = arith.addf %add3A_563, %get3A_588 : vector<16xf32>
        %scan3A_590 = arith.constant 2 : i32
        %scan3A_591 = arith.addi %scan3A_536, %scan3A_590 : i32
        %get3A_592 = arith.constant 1 : i32
        %get3A_593 = arith.index_cast %get3A_592 : i32 to index
        %get3A_594 = arith.index_cast %scan3A_591 : i32 to index
        %get3A_595 = arith.constant 0 : index
        %get3A_596 = tpu.vector_load %arg6[%get3A_593, %get3A_594, %get3A_595] {strides = array<i32>} : memref<4x200x64xf32, #tpu.memory_space<vmem>>, vector<16xf32>,
        %add3A_597 = arith.addf %add3A_571, %get3A_596 : vector<16xf32>
        %get3A_598 = arith.constant 1 : i32
        %get3A_599 = arith.index_cast %get3A_598 : i32 to index
        %get3A_600 = arith.index_cast %scan3A_591 : i32 to index
        %get3A_601 = arith.constant 16 : index
        %get3A_602 = tpu.vector_load %arg6[%get3A_599, %get3A_600, %get3A_601] {strides = array<i32>} : memref<4x200x64xf32, #tpu.memory_space<vmem>>, vector<16xf32>,
        %add3A_603 = arith.addf %add3A_577, %get3A_602 : vector<16xf32>
        %get3A_604 = arith.constant 1 : i32
        %get3A_605 = arith.index_cast %get3A_604 : i32 to index
        %get3A_606 = arith.index_cast %scan3A_591 : i32 to index
        %get3A_607 = arith.constant 32 : index
        %get3A_608 = tpu.vector_load %arg6[%get3A_605, %get3A_606, %get3A_607] {strides = array<i32>} : memref<4x200x64xf32, #tpu.memory_space<vmem>>, vector<16xf32>,
        %add3A_609 = arith.addf %add3A_583, %get3A_608 : vector<16xf32>
        %get3A_610 = arith.constant 1 : i32
        %get3A_611 = arith.index_cast %get3A_610 : i32 to index
        %get3A_612 = arith.index_cast %scan3A_591 : i32 to index
        %get3A_613 = arith.constant 48 : index
        %get3A_614 = tpu.vector_load %arg6[%get3A_611, %get3A_612, %get3A_613] {strides = array<i32>} : memref<4x200x64xf32, #tpu.memory_space<vmem>>, vector<16xf32>,
        %add3A_615 = arith.addf %add3A_589, %get3A_614 : vector<16xf32>
        %scan3A_616 = arith.constant 3 : i32
        %scan3A_617 = arith.addi %scan3A_536, %scan3A_616 : i32
        %get3A_618 = arith.constant 1 : i32
        %get3A_619 = arith.index_cast %get3A_618 : i32 to index
        %get3A_620 = arith.index_cast %scan3A_617 : i32 to index
        %get3A_621 = arith.constant 0 : index
        %get3A_622 = tpu.vector_load %arg6[%get3A_619, %get3A_620, %get3A_621] {strides = array<i32>} : memref<4x200x64xf32, #tpu.memory_space<vmem>>, vector<16xf32>,
        %add3A_623 = arith.addf %add3A_597, %get3A_622 : vector<16xf32>
        %get3A_624 = arith.constant 1 : i32
        %get3A_625 = arith.index_cast %get3A_624 : i32 to index
        %get3A_626 = arith.index_cast %scan3A_617 : i32 to index
        %get3A_627 = arith.constant 16 : index
        %get3A_628 = tpu.vector_load %arg6[%get3A_625, %get3A_626, %get3A_627] {strides = array<i32>} : memref<4x200x64xf32, #tpu.memory_space<vmem>>, vector<16xf32>,
        %add3A_629 = arith.addf %add3A_603, %get3A_628 : vector<16xf32>
        %get3A_630 = arith.constant 1 : i32
        %get3A_631 = arith.index_cast %get3A_630 : i32 to index
        %get3A_632 = arith.index_cast %scan3A_617 : i32 to index
        %get3A_633 = arith.constant 32 : index
        %get3A_634 = tpu.vector_load %arg6[%get3A_631, %get3A_632, %get3A_633] {strides = array<i32>} : memref<4x200x64xf32, #tpu.memory_space<vmem>>, vector<16xf32>,
        %add3A_635 = arith.addf %add3A_609, %get3A_634 : vector<16xf32>
        %get3A_636 = arith.constant 1 : i32
        %get3A_637 = arith.index_cast %get3A_636 : i32 to index
        %get3A_638 = arith.index_cast %scan3A_617 : i32 to index
        %get3A_639 = arith.constant 48 : index
        %get3A_640 = tpu.vector_load %arg6[%get3A_637, %get3A_638, %get3A_639] {strides = array<i32>} : memref<4x200x64xf32, #tpu.memory_space<vmem>>, vector<16xf32>,
        %add3A_641 = arith.addf %add3A_615, %get3A_640 : vector<16xf32>
        %scan3A_642 = arith.constant 4 : i32
        %scan3A_643 = arith.addi %scan3A_536, %scan3A_642 : i32
        %get3A_644 = arith.constant 1 : i32
        %get3A_645 = arith.index_cast %get3A_644 : i32 to index
        %get3A_646 = arith.index_cast %scan3A_643 : i32 to index
        %get3A_647 = arith.constant 0 : index
        %get3A_648 = tpu.vector_load %arg6[%get3A_645, %get3A_646, %get3A_647] {strides = array<i32>} : memref<4x200x64xf32, #tpu.memory_space<vmem>>, vector<16xf32>,
        %add3A_649 = arith.addf %add3A_623, %get3A_648 : vector<16xf32>
        %get3A_650 = arith.constant 1 : i32
        %get3A_651 = arith.index_cast %get3A_650 : i32 to index
        %get3A_652 = arith.index_cast %scan3A_643 : i32 to index
        %get3A_653 = arith.constant 16 : index
        %get3A_654 = tpu.vector_load %arg6[%get3A_651, %get3A_652, %get3A_653] {strides = array<i32>} : memref<4x200x64xf32, #tpu.memory_space<vmem>>, vector<16xf32>,
        %add3A_655 = arith.addf %add3A_629, %get3A_654 : vector<16xf32>
        %get3A_656 = arith.constant 1 : i32
        %get3A_657 = arith.index_cast %get3A_656 : i32 to index
        %get3A_658 = arith.index_cast %scan3A_643 : i32 to index
        %get3A_659 = arith.constant 32 : index
        %get3A_660 = tpu.vector_load %arg6[%get3A_657, %get3A_658, %get3A_659] {strides = array<i32>} : memref<4x200x64xf32, #tpu.memory_space<vmem>>, vector<16xf32>,
        %add3A_661 = arith.addf %add3A_635, %get3A_660 : vector<16xf32>
        %get3A_662 = arith.constant 1 : i32
        %get3A_663 = arith.index_cast %get3A_662 : i32 to index
        %get3A_664 = arith.index_cast %scan3A_643 : i32 to index
        %get3A_665 = arith.constant 48 : index
        %get3A_666 = tpu.vector_load %arg6[%get3A_663, %get3A_664, %get3A_665] {strides = array<i32>} : memref<4x200x64xf32, #tpu.memory_space<vmem>>, vector<16xf32>,
        %add3A_667 = arith.addf %add3A_641, %get3A_666 : vector<16xf32>
        %scan3A_668 = arith.constant 5 : i32
        %scan3A_669 = arith.addi %scan3A_536, %scan3A_668 : i32
        %get3A_670 = arith.constant 1 : i32
        %get3A_671 = arith.index_cast %get3A_670 : i32 to index
        %get3A_672 = arith.index_cast %scan3A_669 : i32 to index
        %get3A_673 = arith.constant 0 : index
        %get3A_674 = tpu.vector_load %arg6[%get3A_671, %get3A_672, %get3A_673] {strides = array<i32>} : memref<4x200x64xf32, #tpu.memory_space<vmem>>, vector<16xf32>,
        %add3A_675 = arith.addf %add3A_649, %get3A_674 : vector<16xf32>
        %get3A_676 = arith.constant 1 : i32
        %get3A_677 = arith.index_cast %get3A_676 : i32 to index
        %get3A_678 = arith.index_cast %scan3A_669 : i32 to index
        %get3A_679 = arith.constant 16 : index
        %get3A_680 = tpu.vector_load %arg6[%get3A_677, %get3A_678, %get3A_679] {strides = array<i32>} : memref<4x200x64xf32, #tpu.memory_space<vmem>>, vector<16xf32>,
        %add3A_681 = arith.addf %add3A_655, %get3A_680 : vector<16xf32>
        %get3A_682 = arith.constant 1 : i32
        %get3A_683 = arith.index_cast %get3A_682 : i32 to index
        %get3A_684 = arith.index_cast %scan3A_669 : i32 to index
        %get3A_685 = arith.constant 32 : index
        %get3A_686 = tpu.vector_load %arg6[%get3A_683, %get3A_684, %get3A_685] {strides = array<i32>} : memref<4x200x64xf32, #tpu.memory_space<vmem>>, vector<16xf32>,
        %add3A_687 = arith.addf %add3A_661, %get3A_686 : vector<16xf32>
        %get3A_688 = arith.constant 1 : i32
        %get3A_689 = arith.index_cast %get3A_688 : i32 to index
        %get3A_690 = arith.index_cast %scan3A_669 : i32 to index
        %get3A_691 = arith.constant 48 : index
        %get3A_692 = tpu.vector_load %arg6[%get3A_689, %get3A_690, %get3A_691] {strides = array<i32>} : memref<4x200x64xf32, #tpu.memory_space<vmem>>, vector<16xf32>,
        %add3A_693 = arith.addf %add3A_667, %get3A_692 : vector<16xf32>
        %scan3A_694 = arith.constant 6 : i32
        %scan3A_695 = arith.addi %scan3A_536, %scan3A_694 : i32
        %get3A_696 = arith.constant 1 : i32
        %get3A_697 = arith.index_cast %get3A_696 : i32 to index
        %get3A_698 = arith.index_cast %scan3A_695 : i32 to index
        %get3A_699 = arith.constant 0 : index
        %get3A_700 = tpu.vector_load %arg6[%get3A_697, %get3A_698, %get3A_699] {strides = array<i32>} : memref<4x200x64xf32, #tpu.memory_space<vmem>>, vector<16xf32>,
        %add3A_701 = arith.addf %add3A_675, %get3A_700 : vector<16xf32>
        %get3A_702 = arith.constant 1 : i32
        %get3A_703 = arith.index_cast %get3A_702 : i32 to index
        %get3A_704 = arith.index_cast %scan3A_695 : i32 to index
        %get3A_705 = arith.constant 16 : index
        %get3A_706 = tpu.vector_load %arg6[%get3A_703, %get3A_704, %get3A_705] {strides = array<i32>} : memref<4x200x64xf32, #tpu.memory_space<vmem>>, vector<16xf32>,
        %add3A_707 = arith.addf %add3A_681, %get3A_706 : vector<16xf32>
        %get3A_708 = arith.constant 1 : i32
        %get3A_709 = arith.index_cast %get3A_708 : i32 to index
        %get3A_710 = arith.index_cast %scan3A_695 : i32 to index
        %get3A_711 = arith.constant 32 : index
        %get3A_712 = tpu.vector_load %arg6[%get3A_709, %get3A_710, %get3A_711] {strides = array<i32>} : memref<4x200x64xf32, #tpu.memory_space<vmem>>, vector<16xf32>,
        %add3A_713 = arith.addf %add3A_687, %get3A_712 : vector<16xf32>
        %get3A_714 = arith.constant 1 : i32
        %get3A_715 = arith.index_cast %get3A_714 : i32 to index
        %get3A_716 = arith.index_cast %scan3A_695 : i32 to index
        %get3A_717 = arith.constant 48 : index
        %get3A_718 = tpu.vector_load %arg6[%get3A_715, %get3A_716, %get3A_717] {strides = array<i32>} : memref<4x200x64xf32, #tpu.memory_space<vmem>>, vector<16xf32>,
        %add3A_719 = arith.addf %add3A_693, %get3A_718 : vector<16xf32>
        %scan3A_720 = arith.constant 7 : i32
        %scan3A_721 = arith.addi %scan3A_536, %scan3A_720 : i32
        %get3A_722 = arith.constant 1 : i32
        %get3A_723 = arith.index_cast %get3A_722 : i32 to index
        %get3A_724 = arith.index_cast %scan3A_721 : i32 to index
        %get3A_725 = arith.constant 0 : index
        %get3A_726 = tpu.vector_load %arg6[%get3A_723, %get3A_724, %get3A_725] {strides = array<i32>} : memref<4x200x64xf32, #tpu.memory_space<vmem>>, vector<16xf32>,
        %add3A_727 = arith.addf %add3A_701, %get3A_726 : vector<16xf32>
        %get3A_728 = arith.constant 1 : i32
        %get3A_729 = arith.index_cast %get3A_728 : i32 to index
        %get3A_730 = arith.index_cast %scan3A_721 : i32 to index
        %get3A_731 = arith.constant 16 : index
        %get3A_732 = tpu.vector_load %arg6[%get3A_729, %get3A_730, %get3A_731] {strides = array<i32>} : memref<4x200x64xf32, #tpu.memory_space<vmem>>, vector<16xf32>,
        %add3A_733 = arith.addf %add3A_707, %get3A_732 : vector<16xf32>
        %get3A_734 = arith.constant 1 : i32
        %get3A_735 = arith.index_cast %get3A_734 : i32 to index
        %get3A_736 = arith.index_cast %scan3A_721 : i32 to index
        %get3A_737 = arith.constant 32 : index
        %get3A_738 = tpu.vector_load %arg6[%get3A_735, %get3A_736, %get3A_737] {strides = array<i32>} : memref<4x200x64xf32, #tpu.memory_space<vmem>>, vector<16xf32>,
        %add3A_739 = arith.addf %add3A_713, %get3A_738 : vector<16xf32>
        %get3A_740 = arith.constant 1 : i32
        %get3A_741 = arith.index_cast %get3A_740 : i32 to index
        %get3A_742 = arith.index_cast %scan3A_721 : i32 to index
        %get3A_743 = arith.constant 48 : index
        %get3A_744 = tpu.vector_load %arg6[%get3A_741, %get3A_742, %get3A_743] {strides = array<i32>} : memref<4x200x64xf32, #tpu.memory_space<vmem>>, vector<16xf32>,
        %add3A_745 = arith.addf %add3A_719, %get3A_744 : vector<16xf32>
        scf.yield %add3A_727, %add3A_733, %add3A_739, %add3A_745 : vector<16xf32>, vector<16xf32>, vector<16xf32>, vector<16xf32>
      }
      %scan3A_299 = arith.constant 200 : i32
      %mul3A_300 = arith.constant 5.000000e-03 : f32
      %mul3A_301 = vector.broadcast %mul3A_300 : f32 to vector<16xf32>
      %mul3A_302 = arith.mulf %scan3A_298#0, %mul3A_301 : vector<16xf32>
      %swap3A_303 = arith.index_cast %add3A_261 : i32 to index
      %swap3A_304 = arith.constant 0 : index
      %swap3A_305 = tpu.vector_load %arg7[%swap3A_303, %swap3A_304] {strides = array<i32>} : memref<128x64xf32, #tpu.memory_space<vmem>>, vector<16xf32>,
      tpu.vector_store %arg7[%swap3A_303, %swap3A_304], %mul3A_302 {strides = array<i32>} : memref<128x64xf32, #tpu.memory_space<vmem>>, vector<16xf32>,
      %mul3A_306 = arith.constant 5.000000e-03 : f32
      %mul3A_307 = vector.broadcast %mul3A_306 : f32 to vector<16xf32>
      %mul3A_308 = arith.mulf %scan3A_298#1, %mul3A_307 : vector<16xf32>
      %swap3A_309 = arith.index_cast %add3A_261 : i32 to index
      %swap3A_310 = arith.constant 16 : index
      %swap3A_311 = tpu.vector_load %arg7[%swap3A_309, %swap3A_310] {strides = array<i32>} : memref<128x64xf32, #tpu.memory_space<vmem>>, vector<16xf32>,
      tpu.vector_store %arg7[%swap3A_309, %swap3A_310], %mul3A_308 {strides = array<i32>} : memref<128x64xf32, #tpu.memory_space<vmem>>, vector<16xf32>,
      %mul3A_312 = arith.constant 5.000000e-03 : f32
      %mul3A_313 = vector.broadcast %mul3A_312 : f32 to vector<16xf32>
      %mul3A_314 = arith.mulf %scan3A_298#2, %mul3A_313 : vector<16xf32>
      %swap3A_315 = arith.index_cast %add3A_261 : i32 to index
      %swap3A_316 = arith.constant 32 : index
      %swap3A_317 = tpu.vector_load %arg7[%swap3A_315, %swap3A_316] {strides = array<i32>} : memref<128x64xf32, #tpu.memory_space<vmem>>, vector<16xf32>,
      tpu.vector_store %arg7[%swap3A_315, %swap3A_316], %mul3A_314 {strides = array<i32>} : memref<128x64xf32, #tpu.memory_space<vmem>>, vector<16xf32>,
      %mul3A_318 = arith.constant 5.000000e-03 : f32
      %mul3A_319 = vector.broadcast %mul3A_318 : f32 to vector<16xf32>
      %mul3A_320 = arith.mulf %scan3A_298#3, %mul3A_319 : vector<16xf32>
      %swap3A_321 = arith.index_cast %add3A_261 : i32 to index
      %swap3A_322 = arith.constant 48 : index
      %swap3A_323 = tpu.vector_load %arg7[%swap3A_321, %swap3A_322] {strides = array<i32>} : memref<128x64xf32, #tpu.memory_space<vmem>>, vector<16xf32>,
      tpu.vector_store %arg7[%swap3A_321, %swap3A_322], %mul3A_320 {strides = array<i32>} : memref<128x64xf32, #tpu.memory_space<vmem>>, vector<16xf32>,
      %add3A_324 = arith.constant 4 : i32
      %add3A_325 = arith.addi %add3A_261, %add3A_324 : i32
      %rem3A_326 = arith.constant 128 : i32
      %rem3A_327 = arith.remsi %add3A_325, %rem3A_326 : i32
      %mul3A_328 = arith.constant 200 : i32
      %mul3A_329 = arith.muli %rem3A_327, %mul3A_328 : i32
      %dma_start3A_330 = arith.constant 1 : i32
      %dma_start3A_331 = arith.constant 0 : i32
      %dma_start3A_332 = arith.constant 0 : i32
      %dma_start3A_333 = tpu.memref_slice %arg6[%dma_start3A_330, %dma_start3A_331, %dma_start3A_332] : memref<4x200x64xf32, #tpu.memory_space<vmem>> -> memref<1x96x64xf32, #tpu.memory_space<vmem>>
      %dma_start3A_334 = tpu.memref_squeeze %dma_start3A_333 : memref<1x96x64xf32, #tpu.memory_space<vmem>> -> memref<96x64xf32, #tpu.memory_space<vmem>>
      %dma_start3A_335 = tpu.memref_slice %arg5[%mul3A_329] : memref<25600xi32, #tpu.memory_space<vmem>> -> memref<96xi32, #tpu.memory_space<vmem>>
      %dma_start3A_336 = arith.constant 0 : i32
      %dma_start3A_337 = arith.constant 0 : i32
      %dma_start3A_338 = tpu.memref_slice %arg3[%dma_start3A_336, %dma_start3A_337] : memref<100000x64xf32, #tpu.memory_space<hbm>> -> memref<100000x64xf32, #tpu.memory_space<hbm>>
      tpu.enqueue_indirect_dma source(%dma_start3A_338 : memref<100000x64xf32, #tpu.memory_space<hbm>>) target(%dma_start3A_334 : memref<96x64xf32, #tpu.memory_space<vmem>>) offsets(%dma_start3A_335 : memref<96xi32, #tpu.memory_space<vmem>>) semaphore(%arg9 : memref<!tpu.dma_semaphore, #tpu.memory_space<semaphore_mem>>)
      %mul3A_339 = arith.constant 200 : i32
      %mul3A_340 = arith.muli %rem3A_327, %mul3A_339 : i32
      %add3A_341 = arith.constant 96 : i32
      %add3A_342 = arith.addi %mul3A_340, %add3A_341 : i32
      %dma_start3A_343 = arith.constant 1 : i32
      %dma_start3A_344 = arith.constant 96 : i32
      %dma_start3A_345 = arith.constant 0 : i32
      %dma_start3A_346 = tpu.memref_slice %arg6[%dma_start3A_343, %dma_start3A_344, %dma_start3A_345] : memref<4x200x64xf32, #tpu.memory_space<vmem>> -> memref<1x104x64xf32, #tpu.memory_space<vmem>>
      %dma_start3A_347 = tpu.memref_squeeze %dma_start3A_346 : memref<1x104x64xf32, #tpu.memory_space<vmem>> -> memref<104x64xf32, #tpu.memory_space<vmem>>
      %dma_start3A_348 = tpu.memref_slice %arg5[%add3A_342] : memref<25600xi32, #tpu.memory_space<vmem>> -> memref<104xi32, #tpu.memory_space<vmem>>
      %dma_start3A_349 = arith.constant 0 : i32
      %dma_start3A_350 = arith.constant 0 : i32
      %dma_start3A_351 = tpu.memref_slice %arg3[%dma_start3A_349, %dma_start3A_350] : memref<100000x64xf32, #tpu.memory_space<hbm>> -> memref<100000x64xf32, #tpu.memory_space<hbm>>
      tpu.enqueue_indirect_dma source(%dma_start3A_351 : memref<100000x64xf32, #tpu.memory_space<hbm>>) target(%dma_start3A_347 : memref<104x64xf32, #tpu.memory_space<vmem>>) offsets(%dma_start3A_348 : memref<104xi32, #tpu.memory_space<vmem>>) semaphore(%arg9 : memref<!tpu.dma_semaphore, #tpu.memory_space<semaphore_mem>>)
      %add3A_352 = arith.constant 2 : i32
      %add3A_353 = arith.addi %mul3A_170, %add3A_352 : i32
      %mul3A_354 = arith.constant 200 : i32
      %mul3A_355 = arith.muli %add3A_353, %mul3A_354 : i32
      %dma_wait3A_356 = arith.constant 2 : i32
      %dma_wait3A_357 = arith.constant 0 : i32
      %dma_wait3A_358 = arith.constant 0 : i32
      %dma_wait3A_359 = tpu.memref_slice %arg6[%dma_wait3A_356, %dma_wait3A_357, %dma_wait3A_358] : memref<4x200x64xf32, #tpu.memory_space<vmem>> -> memref<1x96x64xf32, #tpu.memory_space<vmem>>
      %dma_wait3A_360 = tpu.memref_squeeze %dma_wait3A_359 : memref<1x96x64xf32, #tpu.memory_space<vmem>> -> memref<96x64xf32, #tpu.memory_space<vmem>>
      %dma_wait3A_361 = tpu.memref_slice %arg5[%mul3A_355] : memref<25600xi32, #tpu.memory_space<vmem>> -> memref<96xi32, #tpu.memory_space<vmem>>
      %dma_wait3A_362 = arith.constant 0 : i32
      %dma_wait3A_363 = arith.constant 0 : i32
      %dma_wait3A_364 = tpu.memref_slice %arg3[%dma_wait3A_362, %dma_wait3A_363] : memref<100000x64xf32, #tpu.memory_space<hbm>> -> memref<100000x64xf32, #tpu.memory_space<hbm>>
      tpu.wait_indirect_dma semaphore(%arg10 : memref<!tpu.dma_semaphore, #tpu.memory_space<semaphore_mem>>) src(%dma_wait3A_364 : memref<100000x64xf32, #tpu.memory_space<hbm>>) dst(%dma_wait3A_360 : memref<96x64xf32, #tpu.memory_space<vmem>>)
      %mul3A_365 = arith.constant 200 : i32
      %mul3A_366 = arith.muli %add3A_353, %mul3A_365 : i32
      %add3A_367 = arith.constant 96 : i32
      %add3A_368 = arith.addi %mul3A_366, %add3A_367 : i32
      %dma_wait3A_369 = arith.constant 2 : i32
      %dma_wait3A_370 = arith.constant 96 : i32
      %dma_wait3A_371 = arith.constant 0 : i32
      %dma_wait3A_372 = tpu.memref_slice %arg6[%dma_wait3A_369, %dma_wait3A_370, %dma_wait3A_371] : memref<4x200x64xf32, #tpu.memory_space<vmem>> -> memref<1x104x64xf32, #tpu.memory_space<vmem>>
      %dma_wait3A_373 = tpu.memref_squeeze %dma_wait3A_372 : memref<1x104x64xf32, #tpu.memory_space<vmem>> -> memref<104x64xf32, #tpu.memory_space<vmem>>
      %dma_wait3A_374 = tpu.memref_slice %arg5[%add3A_368] : memref<25600xi32, #tpu.memory_space<vmem>> -> memref<104xi32, #tpu.memory_space<vmem>>
      %dma_wait3A_375 = arith.constant 0 : i32
      %dma_wait3A_376 = arith.constant 0 : i32
      %dma_wait3A_377 = tpu.memref_slice %arg3[%dma_wait3A_375, %dma_wait3A_376] : memref<100000x64xf32, #tpu.memory_space<hbm>> -> memref<100000x64xf32, #tpu.memory_space<hbm>>
      tpu.wait_indirect_dma semaphore(%arg10 : memref<!tpu.dma_semaphore, #tpu.memory_space<semaphore_mem>>) src(%dma_wait3A_377 : memref<100000x64xf32, #tpu.memory_space<hbm>>) dst(%dma_wait3A_373 : memref<104x64xf32, #tpu.memory_space<vmem>>)
      %broadcast_in_dim3A_378 = arith.constant 0.000000e+00 : f32
      %broadcast_in_dim3A_379 = vector.broadcast %broadcast_in_dim3A_378 : f32 to vector<16xf32>
      %broadcast_in_dim3A_380 = arith.constant 0.000000e+00 : f32
      %broadcast_in_dim3A_381 = vector.broadcast %broadcast_in_dim3A_380 : f32 to vector<16xf32>
      %broadcast_in_dim3A_382 = arith.constant 0.000000e+00 : f32
      %broadcast_in_dim3A_383 = vector.broadcast %broadcast_in_dim3A_382 : f32 to vector<16xf32>
      %broadcast_in_dim3A_384 = arith.constant 0.000000e+00 : f32
      %broadcast_in_dim3A_385 = vector.broadcast %broadcast_in_dim3A_384 : f32 to vector<16xf32>
      %scan3A_386 = arith.constant 0 : i32
      %scan3A_387 = arith.constant 200 : i32
      %scan3A_388 = arith.addi %scan3A_386, %scan3A_387 : i32
      %scan3A_389 = arith.constant 8 : i32
      %scan3A_390:4 = scf.for %scan3A_536 = %scan3A_386 to %scan3A_388 step %scan3A_389 iter_args(%scan3A_537 = %broadcast_in_dim3A_379, %scan3A_538 = %broadcast_in_dim3A_381, %scan3A_539 = %broadcast_in_dim3A_383, %scan3A_540 = %broadcast_in_dim3A_385) -> (vector<16xf32>, vector<16xf32>, vector<16xf32>, vector<16xf32>)  : i32 {
        %get3A = arith.constant 2 : i32
        %get3A_541 = arith.index_cast %get3A : i32 to index
        %get3A_542 = arith.index_cast %scan3A_536 : i32 to index
        %get3A_543 = arith.constant 0 : index
        %get3A_544 = tpu.vector_load %arg6[%get3A_541, %get3A_542, %get3A_543] {strides = array<i32>} : memref<4x200x64xf32, #tpu.memory_space<vmem>>, vector<16xf32>,
        %add3A_545 = arith.addf %scan3A_537, %get3A_544 : vector<16xf32>
        %get3A_546 = arith.constant 2 : i32
        %get3A_547 = arith.index_cast %get3A_546 : i32 to index
        %get3A_548 = arith.index_cast %scan3A_536 : i32 to index
        %get3A_549 = arith.constant 16 : index
        %get3A_550 = tpu.vector_load %arg6[%get3A_547, %get3A_548, %get3A_549] {strides = array<i32>} : memref<4x200x64xf32, #tpu.memory_space<vmem>>, vector<16xf32>,
        %add3A_551 = arith.addf %scan3A_538, %get3A_550 : vector<16xf32>
        %get3A_552 = arith.constant 2 : i32
        %get3A_553 = arith.index_cast %get3A_552 : i32 to index
        %get3A_554 = arith.index_cast %scan3A_536 : i32 to index
        %get3A_555 = arith.constant 32 : index
        %get3A_556 = tpu.vector_load %arg6[%get3A_553, %get3A_554, %get3A_555] {strides = array<i32>} : memref<4x200x64xf32, #tpu.memory_space<vmem>>, vector<16xf32>,
        %add3A_557 = arith.addf %scan3A_539, %get3A_556 : vector<16xf32>
        %get3A_558 = arith.constant 2 : i32
        %get3A_559 = arith.index_cast %get3A_558 : i32 to index
        %get3A_560 = arith.index_cast %scan3A_536 : i32 to index
        %get3A_561 = arith.constant 48 : index
        %get3A_562 = tpu.vector_load %arg6[%get3A_559, %get3A_560, %get3A_561] {strides = array<i32>} : memref<4x200x64xf32, #tpu.memory_space<vmem>>, vector<16xf32>,
        %add3A_563 = arith.addf %scan3A_540, %get3A_562 : vector<16xf32>
        %scan3A_564 = arith.constant 1 : i32
        %scan3A_565 = arith.addi %scan3A_536, %scan3A_564 : i32
        %get3A_566 = arith.constant 2 : i32
        %get3A_567 = arith.index_cast %get3A_566 : i32 to index
        %get3A_568 = arith.index_cast %scan3A_565 : i32 to index
        %get3A_569 = arith.constant 0 : index
        %get3A_570 = tpu.vector_load %arg6[%get3A_567, %get3A_568, %get3A_569] {strides = array<i32>} : memref<4x200x64xf32, #tpu.memory_space<vmem>>, vector<16xf32>,
        %add3A_571 = arith.addf %add3A_545, %get3A_570 : vector<16xf32>
        %get3A_572 = arith.constant 2 : i32
        %get3A_573 = arith.index_cast %get3A_572 : i32 to index
        %get3A_574 = arith.index_cast %scan3A_565 : i32 to index
        %get3A_575 = arith.constant 16 : index
        %get3A_576 = tpu.vector_load %arg6[%get3A_573, %get3A_574, %get3A_575] {strides = array<i32>} : memref<4x200x64xf32, #tpu.memory_space<vmem>>, vector<16xf32>,
        %add3A_577 = arith.addf %add3A_551, %get3A_576 : vector<16xf32>
        %get3A_578 = arith.constant 2 : i32
        %get3A_579 = arith.index_cast %get3A_578 : i32 to index
        %get3A_580 = arith.index_cast %scan3A_565 : i32 to index
        %get3A_581 = arith.constant 32 : index
        %get3A_582 = tpu.vector_load %arg6[%get3A_579, %get3A_580, %get3A_581] {strides = array<i32>} : memref<4x200x64xf32, #tpu.memory_space<vmem>>, vector<16xf32>,
        %add3A_583 = arith.addf %add3A_557, %get3A_582 : vector<16xf32>
        %get3A_584 = arith.constant 2 : i32
        %get3A_585 = arith.index_cast %get3A_584 : i32 to index
        %get3A_586 = arith.index_cast %scan3A_565 : i32 to index
        %get3A_587 = arith.constant 48 : index
        %get3A_588 = tpu.vector_load %arg6[%get3A_585, %get3A_586, %get3A_587] {strides = array<i32>} : memref<4x200x64xf32, #tpu.memory_space<vmem>>, vector<16xf32>,
        %add3A_589 = arith.addf %add3A_563, %get3A_588 : vector<16xf32>
        %scan3A_590 = arith.constant 2 : i32
        %scan3A_591 = arith.addi %scan3A_536, %scan3A_590 : i32
        %get3A_592 = arith.constant 2 : i32
        %get3A_593 = arith.index_cast %get3A_592 : i32 to index
        %get3A_594 = arith.index_cast %scan3A_591 : i32 to index
        %get3A_595 = arith.constant 0 : index
        %get3A_596 = tpu.vector_load %arg6[%get3A_593, %get3A_594, %get3A_595] {strides = array<i32>} : memref<4x200x64xf32, #tpu.memory_space<vmem>>, vector<16xf32>,
        %add3A_597 = arith.addf %add3A_571, %get3A_596 : vector<16xf32>
        %get3A_598 = arith.constant 2 : i32
        %get3A_599 = arith.index_cast %get3A_598 : i32 to index
        %get3A_600 = arith.index_cast %scan3A_591 : i32 to index
        %get3A_601 = arith.constant 16 : index
        %get3A_602 = tpu.vector_load %arg6[%get3A_599, %get3A_600, %get3A_601] {strides = array<i32>} : memref<4x200x64xf32, #tpu.memory_space<vmem>>, vector<16xf32>,
        %add3A_603 = arith.addf %add3A_577, %get3A_602 : vector<16xf32>
        %get3A_604 = arith.constant 2 : i32
        %get3A_605 = arith.index_cast %get3A_604 : i32 to index
        %get3A_606 = arith.index_cast %scan3A_591 : i32 to index
        %get3A_607 = arith.constant 32 : index
        %get3A_608 = tpu.vector_load %arg6[%get3A_605, %get3A_606, %get3A_607] {strides = array<i32>} : memref<4x200x64xf32, #tpu.memory_space<vmem>>, vector<16xf32>,
        %add3A_609 = arith.addf %add3A_583, %get3A_608 : vector<16xf32>
        %get3A_610 = arith.constant 2 : i32
        %get3A_611 = arith.index_cast %get3A_610 : i32 to index
        %get3A_612 = arith.index_cast %scan3A_591 : i32 to index
        %get3A_613 = arith.constant 48 : index
        %get3A_614 = tpu.vector_load %arg6[%get3A_611, %get3A_612, %get3A_613] {strides = array<i32>} : memref<4x200x64xf32, #tpu.memory_space<vmem>>, vector<16xf32>,
        %add3A_615 = arith.addf %add3A_589, %get3A_614 : vector<16xf32>
        %scan3A_616 = arith.constant 3 : i32
        %scan3A_617 = arith.addi %scan3A_536, %scan3A_616 : i32
        %get3A_618 = arith.constant 2 : i32
        %get3A_619 = arith.index_cast %get3A_618 : i32 to index
        %get3A_620 = arith.index_cast %scan3A_617 : i32 to index
        %get3A_621 = arith.constant 0 : index
        %get3A_622 = tpu.vector_load %arg6[%get3A_619, %get3A_620, %get3A_621] {strides = array<i32>} : memref<4x200x64xf32, #tpu.memory_space<vmem>>, vector<16xf32>,
        %add3A_623 = arith.addf %add3A_597, %get3A_622 : vector<16xf32>
        %get3A_624 = arith.constant 2 : i32
        %get3A_625 = arith.index_cast %get3A_624 : i32 to index
        %get3A_626 = arith.index_cast %scan3A_617 : i32 to index
        %get3A_627 = arith.constant 16 : index
        %get3A_628 = tpu.vector_load %arg6[%get3A_625, %get3A_626, %get3A_627] {strides = array<i32>} : memref<4x200x64xf32, #tpu.memory_space<vmem>>, vector<16xf32>,
        %add3A_629 = arith.addf %add3A_603, %get3A_628 : vector<16xf32>
        %get3A_630 = arith.constant 2 : i32
        %get3A_631 = arith.index_cast %get3A_630 : i32 to index
        %get3A_632 = arith.index_cast %scan3A_617 : i32 to index
        %get3A_633 = arith.constant 32 : index
        %get3A_634 = tpu.vector_load %arg6[%get3A_631, %get3A_632, %get3A_633] {strides = array<i32>} : memref<4x200x64xf32, #tpu.memory_space<vmem>>, vector<16xf32>,
        %add3A_635 = arith.addf %add3A_609, %get3A_634 : vector<16xf32>
        %get3A_636 = arith.constant 2 : i32
        %get3A_637 = arith.index_cast %get3A_636 : i32 to index
        %get3A_638 = arith.index_cast %scan3A_617 : i32 to index
        %get3A_639 = arith.constant 48 : index
        %get3A_640 = tpu.vector_load %arg6[%get3A_637, %get3A_638, %get3A_639] {strides = array<i32>} : memref<4x200x64xf32, #tpu.memory_space<vmem>>, vector<16xf32>,
        %add3A_641 = arith.addf %add3A_615, %get3A_640 : vector<16xf32>
        %scan3A_642 = arith.constant 4 : i32
        %scan3A_643 = arith.addi %scan3A_536, %scan3A_642 : i32
        %get3A_644 = arith.constant 2 : i32
        %get3A_645 = arith.index_cast %get3A_644 : i32 to index
        %get3A_646 = arith.index_cast %scan3A_643 : i32 to index
        %get3A_647 = arith.constant 0 : index
        %get3A_648 = tpu.vector_load %arg6[%get3A_645, %get3A_646, %get3A_647] {strides = array<i32>} : memref<4x200x64xf32, #tpu.memory_space<vmem>>, vector<16xf32>,
        %add3A_649 = arith.addf %add3A_623, %get3A_648 : vector<16xf32>
        %get3A_650 = arith.constant 2 : i32
        %get3A_651 = arith.index_cast %get3A_650 : i32 to index
        %get3A_652 = arith.index_cast %scan3A_643 : i32 to index
        %get3A_653 = arith.constant 16 : index
        %get3A_654 = tpu.vector_load %arg6[%get3A_651, %get3A_652, %get3A_653] {strides = array<i32>} : memref<4x200x64xf32, #tpu.memory_space<vmem>>, vector<16xf32>,
        %add3A_655 = arith.addf %add3A_629, %get3A_654 : vector<16xf32>
        %get3A_656 = arith.constant 2 : i32
        %get3A_657 = arith.index_cast %get3A_656 : i32 to index
        %get3A_658 = arith.index_cast %scan3A_643 : i32 to index
        %get3A_659 = arith.constant 32 : index
        %get3A_660 = tpu.vector_load %arg6[%get3A_657, %get3A_658, %get3A_659] {strides = array<i32>} : memref<4x200x64xf32, #tpu.memory_space<vmem>>, vector<16xf32>,
        %add3A_661 = arith.addf %add3A_635, %get3A_660 : vector<16xf32>
        %get3A_662 = arith.constant 2 : i32
        %get3A_663 = arith.index_cast %get3A_662 : i32 to index
        %get3A_664 = arith.index_cast %scan3A_643 : i32 to index
        %get3A_665 = arith.constant 48 : index
        %get3A_666 = tpu.vector_load %arg6[%get3A_663, %get3A_664, %get3A_665] {strides = array<i32>} : memref<4x200x64xf32, #tpu.memory_space<vmem>>, vector<16xf32>,
        %add3A_667 = arith.addf %add3A_641, %get3A_666 : vector<16xf32>
        %scan3A_668 = arith.constant 5 : i32
        %scan3A_669 = arith.addi %scan3A_536, %scan3A_668 : i32
        %get3A_670 = arith.constant 2 : i32
        %get3A_671 = arith.index_cast %get3A_670 : i32 to index
        %get3A_672 = arith.index_cast %scan3A_669 : i32 to index
        %get3A_673 = arith.constant 0 : index
        %get3A_674 = tpu.vector_load %arg6[%get3A_671, %get3A_672, %get3A_673] {strides = array<i32>} : memref<4x200x64xf32, #tpu.memory_space<vmem>>, vector<16xf32>,
        %add3A_675 = arith.addf %add3A_649, %get3A_674 : vector<16xf32>
        %get3A_676 = arith.constant 2 : i32
        %get3A_677 = arith.index_cast %get3A_676 : i32 to index
        %get3A_678 = arith.index_cast %scan3A_669 : i32 to index
        %get3A_679 = arith.constant 16 : index
        %get3A_680 = tpu.vector_load %arg6[%get3A_677, %get3A_678, %get3A_679] {strides = array<i32>} : memref<4x200x64xf32, #tpu.memory_space<vmem>>, vector<16xf32>,
        %add3A_681 = arith.addf %add3A_655, %get3A_680 : vector<16xf32>
        %get3A_682 = arith.constant 2 : i32
        %get3A_683 = arith.index_cast %get3A_682 : i32 to index
        %get3A_684 = arith.index_cast %scan3A_669 : i32 to index
        %get3A_685 = arith.constant 32 : index
        %get3A_686 = tpu.vector_load %arg6[%get3A_683, %get3A_684, %get3A_685] {strides = array<i32>} : memref<4x200x64xf32, #tpu.memory_space<vmem>>, vector<16xf32>,
        %add3A_687 = arith.addf %add3A_661, %get3A_686 : vector<16xf32>
        %get3A_688 = arith.constant 2 : i32
        %get3A_689 = arith.index_cast %get3A_688 : i32 to index
        %get3A_690 = arith.index_cast %scan3A_669 : i32 to index
        %get3A_691 = arith.constant 48 : index
        %get3A_692 = tpu.vector_load %arg6[%get3A_689, %get3A_690, %get3A_691] {strides = array<i32>} : memref<4x200x64xf32, #tpu.memory_space<vmem>>, vector<16xf32>,
        %add3A_693 = arith.addf %add3A_667, %get3A_692 : vector<16xf32>
        %scan3A_694 = arith.constant 6 : i32
        %scan3A_695 = arith.addi %scan3A_536, %scan3A_694 : i32
        %get3A_696 = arith.constant 2 : i32
        %get3A_697 = arith.index_cast %get3A_696 : i32 to index
        %get3A_698 = arith.index_cast %scan3A_695 : i32 to index
        %get3A_699 = arith.constant 0 : index
        %get3A_700 = tpu.vector_load %arg6[%get3A_697, %get3A_698, %get3A_699] {strides = array<i32>} : memref<4x200x64xf32, #tpu.memory_space<vmem>>, vector<16xf32>,
        %add3A_701 = arith.addf %add3A_675, %get3A_700 : vector<16xf32>
        %get3A_702 = arith.constant 2 : i32
        %get3A_703 = arith.index_cast %get3A_702 : i32 to index
        %get3A_704 = arith.index_cast %scan3A_695 : i32 to index
        %get3A_705 = arith.constant 16 : index
        %get3A_706 = tpu.vector_load %arg6[%get3A_703, %get3A_704, %get3A_705] {strides = array<i32>} : memref<4x200x64xf32, #tpu.memory_space<vmem>>, vector<16xf32>,
        %add3A_707 = arith.addf %add3A_681, %get3A_706 : vector<16xf32>
        %get3A_708 = arith.constant 2 : i32
        %get3A_709 = arith.index_cast %get3A_708 : i32 to index
        %get3A_710 = arith.index_cast %scan3A_695 : i32 to index
        %get3A_711 = arith.constant 32 : index
        %get3A_712 = tpu.vector_load %arg6[%get3A_709, %get3A_710, %get3A_711] {strides = array<i32>} : memref<4x200x64xf32, #tpu.memory_space<vmem>>, vector<16xf32>,
        %add3A_713 = arith.addf %add3A_687, %get3A_712 : vector<16xf32>
        %get3A_714 = arith.constant 2 : i32
        %get3A_715 = arith.index_cast %get3A_714 : i32 to index
        %get3A_716 = arith.index_cast %scan3A_695 : i32 to index
        %get3A_717 = arith.constant 48 : index
        %get3A_718 = tpu.vector_load %arg6[%get3A_715, %get3A_716, %get3A_717] {strides = array<i32>} : memref<4x200x64xf32, #tpu.memory_space<vmem>>, vector<16xf32>,
        %add3A_719 = arith.addf %add3A_693, %get3A_718 : vector<16xf32>
        %scan3A_720 = arith.constant 7 : i32
        %scan3A_721 = arith.addi %scan3A_536, %scan3A_720 : i32
        %get3A_722 = arith.constant 2 : i32
        %get3A_723 = arith.index_cast %get3A_722 : i32 to index
        %get3A_724 = arith.index_cast %scan3A_721 : i32 to index
        %get3A_725 = arith.constant 0 : index
        %get3A_726 = tpu.vector_load %arg6[%get3A_723, %get3A_724, %get3A_725] {strides = array<i32>} : memref<4x200x64xf32, #tpu.memory_space<vmem>>, vector<16xf32>,
        %add3A_727 = arith.addf %add3A_701, %get3A_726 : vector<16xf32>
        %get3A_728 = arith.constant 2 : i32
        %get3A_729 = arith.index_cast %get3A_728 : i32 to index
        %get3A_730 = arith.index_cast %scan3A_721 : i32 to index
        %get3A_731 = arith.constant 16 : index
        %get3A_732 = tpu.vector_load %arg6[%get3A_729, %get3A_730, %get3A_731] {strides = array<i32>} : memref<4x200x64xf32, #tpu.memory_space<vmem>>, vector<16xf32>,
        %add3A_733 = arith.addf %add3A_707, %get3A_732 : vector<16xf32>
        %get3A_734 = arith.constant 2 : i32
        %get3A_735 = arith.index_cast %get3A_734 : i32 to index
        %get3A_736 = arith.index_cast %scan3A_721 : i32 to index
        %get3A_737 = arith.constant 32 : index
        %get3A_738 = tpu.vector_load %arg6[%get3A_735, %get3A_736, %get3A_737] {strides = array<i32>} : memref<4x200x64xf32, #tpu.memory_space<vmem>>, vector<16xf32>,
        %add3A_739 = arith.addf %add3A_713, %get3A_738 : vector<16xf32>
        %get3A_740 = arith.constant 2 : i32
        %get3A_741 = arith.index_cast %get3A_740 : i32 to index
        %get3A_742 = arith.index_cast %scan3A_721 : i32 to index
        %get3A_743 = arith.constant 48 : index
        %get3A_744 = tpu.vector_load %arg6[%get3A_741, %get3A_742, %get3A_743] {strides = array<i32>} : memref<4x200x64xf32, #tpu.memory_space<vmem>>, vector<16xf32>,
        %add3A_745 = arith.addf %add3A_719, %get3A_744 : vector<16xf32>
        scf.yield %add3A_727, %add3A_733, %add3A_739, %add3A_745 : vector<16xf32>, vector<16xf32>, vector<16xf32>, vector<16xf32>
      }
      %scan3A_391 = arith.constant 200 : i32
      %mul3A_392 = arith.constant 5.000000e-03 : f32
      %mul3A_393 = vector.broadcast %mul3A_392 : f32 to vector<16xf32>
      %mul3A_394 = arith.mulf %scan3A_390#0, %mul3A_393 : vector<16xf32>
      %swap3A_395 = arith.index_cast %add3A_353 : i32 to index
      %swap3A_396 = arith.constant 0 : index
      %swap3A_397 = tpu.vector_load %arg7[%swap3A_395, %swap3A_396] {strides = array<i32>} : memref<128x64xf32, #tpu.memory_space<vmem>>, vector<16xf32>,
      tpu.vector_store %arg7[%swap3A_395, %swap3A_396], %mul3A_394 {strides = array<i32>} : memref<128x64xf32, #tpu.memory_space<vmem>>, vector<16xf32>,
      %mul3A_398 = arith.constant 5.000000e-03 : f32
      %mul3A_399 = vector.broadcast %mul3A_398 : f32 to vector<16xf32>
      %mul3A_400 = arith.mulf %scan3A_390#1, %mul3A_399 : vector<16xf32>
      %swap3A_401 = arith.index_cast %add3A_353 : i32 to index
      %swap3A_402 = arith.constant 16 : index
      %swap3A_403 = tpu.vector_load %arg7[%swap3A_401, %swap3A_402] {strides = array<i32>} : memref<128x64xf32, #tpu.memory_space<vmem>>, vector<16xf32>,
      tpu.vector_store %arg7[%swap3A_401, %swap3A_402], %mul3A_400 {strides = array<i32>} : memref<128x64xf32, #tpu.memory_space<vmem>>, vector<16xf32>,
      %mul3A_404 = arith.constant 5.000000e-03 : f32
      %mul3A_405 = vector.broadcast %mul3A_404 : f32 to vector<16xf32>
      %mul3A_406 = arith.mulf %scan3A_390#2, %mul3A_405 : vector<16xf32>
      %swap3A_407 = arith.index_cast %add3A_353 : i32 to index
      %swap3A_408 = arith.constant 32 : index
      %swap3A_409 = tpu.vector_load %arg7[%swap3A_407, %swap3A_408] {strides = array<i32>} : memref<128x64xf32, #tpu.memory_space<vmem>>, vector<16xf32>,
      tpu.vector_store %arg7[%swap3A_407, %swap3A_408], %mul3A_406 {strides = array<i32>} : memref<128x64xf32, #tpu.memory_space<vmem>>, vector<16xf32>,
      %mul3A_410 = arith.constant 5.000000e-03 : f32
      %mul3A_411 = vector.broadcast %mul3A_410 : f32 to vector<16xf32>
      %mul3A_412 = arith.mulf %scan3A_390#3, %mul3A_411 : vector<16xf32>
      %swap3A_413 = arith.index_cast %add3A_353 : i32 to index
      %swap3A_414 = arith.constant 48 : index
      %swap3A_415 = tpu.vector_load %arg7[%swap3A_413, %swap3A_414] {strides = array<i32>} : memref<128x64xf32, #tpu.memory_space<vmem>>, vector<16xf32>,
      tpu.vector_store %arg7[%swap3A_413, %swap3A_414], %mul3A_412 {strides = array<i32>} : memref<128x64xf32, #tpu.memory_space<vmem>>, vector<16xf32>,
      %add3A_416 = arith.constant 4 : i32
      %add3A_417 = arith.addi %add3A_353, %add3A_416 : i32
      %rem3A_418 = arith.constant 128 : i32
      %rem3A_419 = arith.remsi %add3A_417, %rem3A_418 : i32
      %mul3A_420 = arith.constant 200 : i32
      %mul3A_421 = arith.muli %rem3A_419, %mul3A_420 : i32
      %dma_start3A_422 = arith.constant 2 : i32
      %dma_start3A_423 = arith.constant 0 : i32
      %dma_start3A_424 = arith.constant 0 : i32
      %dma_start3A_425 = tpu.memref_slice %arg6[%dma_start3A_422, %dma_start3A_423, %dma_start3A_424] : memref<4x200x64xf32, #tpu.memory_space<vmem>> -> memref<1x96x64xf32, #tpu.memory_space<vmem>>
      %dma_start3A_426 = tpu.memref_squeeze %dma_start3A_425 : memref<1x96x64xf32, #tpu.memory_space<vmem>> -> memref<96x64xf32, #tpu.memory_space<vmem>>
      %dma_start3A_427 = tpu.memref_slice %arg5[%mul3A_421] : memref<25600xi32, #tpu.memory_space<vmem>> -> memref<96xi32, #tpu.memory_space<vmem>>
      %dma_start3A_428 = arith.constant 0 : i32
      %dma_start3A_429 = arith.constant 0 : i32
      %dma_start3A_430 = tpu.memref_slice %arg3[%dma_start3A_428, %dma_start3A_429] : memref<100000x64xf32, #tpu.memory_space<hbm>> -> memref<100000x64xf32, #tpu.memory_space<hbm>>
      tpu.enqueue_indirect_dma source(%dma_start3A_430 : memref<100000x64xf32, #tpu.memory_space<hbm>>) target(%dma_start3A_426 : memref<96x64xf32, #tpu.memory_space<vmem>>) offsets(%dma_start3A_427 : memref<96xi32, #tpu.memory_space<vmem>>) semaphore(%arg10 : memref<!tpu.dma_semaphore, #tpu.memory_space<semaphore_mem>>)
      %mul3A_431 = arith.constant 200 : i32
      %mul3A_432 = arith.muli %rem3A_419, %mul3A_431 : i32
      %add3A_433 = arith.constant 96 : i32
      %add3A_434 = arith.addi %mul3A_432, %add3A_433 : i32
      %dma_start3A_435 = arith.constant 2 : i32
      %dma_start3A_436 = arith.constant 96 : i32
      %dma_start3A_437 = arith.constant 0 : i32
      %dma_start3A_438 = tpu.memref_slice %arg6[%dma_start3A_435, %dma_start3A_436, %dma_start3A_437] : memref<4x200x64xf32, #tpu.memory_space<vmem>> -> memref<1x104x64xf32, #tpu.memory_space<vmem>>
      %dma_start3A_439 = tpu.memref_squeeze %dma_start3A_438 : memref<1x104x64xf32, #tpu.memory_space<vmem>> -> memref<104x64xf32, #tpu.memory_space<vmem>>
      %dma_start3A_440 = tpu.memref_slice %arg5[%add3A_434] : memref<25600xi32, #tpu.memory_space<vmem>> -> memref<104xi32, #tpu.memory_space<vmem>>
      %dma_start3A_441 = arith.constant 0 : i32
      %dma_start3A_442 = arith.constant 0 : i32
      %dma_start3A_443 = tpu.memref_slice %arg3[%dma_start3A_441, %dma_start3A_442] : memref<100000x64xf32, #tpu.memory_space<hbm>> -> memref<100000x64xf32, #tpu.memory_space<hbm>>
      tpu.enqueue_indirect_dma source(%dma_start3A_443 : memref<100000x64xf32, #tpu.memory_space<hbm>>) target(%dma_start3A_439 : memref<104x64xf32, #tpu.memory_space<vmem>>) offsets(%dma_start3A_440 : memref<104xi32, #tpu.memory_space<vmem>>) semaphore(%arg10 : memref<!tpu.dma_semaphore, #tpu.memory_space<semaphore_mem>>)
      %add3A_444 = arith.constant 3 : i32
      %add3A_445 = arith.addi %mul3A_170, %add3A_444 : i32
      %mul3A_446 = arith.constant 200 : i32
      %mul3A_447 = arith.muli %add3A_445, %mul3A_446 : i32
      %dma_wait3A_448 = arith.constant 3 : i32
      %dma_wait3A_449 = arith.constant 0 : i32
      %dma_wait3A_450 = arith.constant 0 : i32
      %dma_wait3A_451 = tpu.memref_slice %arg6[%dma_wait3A_448, %dma_wait3A_449, %dma_wait3A_450] : memref<4x200x64xf32, #tpu.memory_space<vmem>> -> memref<1x96x64xf32, #tpu.memory_space<vmem>>
      %dma_wait3A_452 = tpu.memref_squeeze %dma_wait3A_451 : memref<1x96x64xf32, #tpu.memory_space<vmem>> -> memref<96x64xf32, #tpu.memory_space<vmem>>
      %dma_wait3A_453 = tpu.memref_slice %arg5[%mul3A_447] : memref<25600xi32, #tpu.memory_space<vmem>> -> memref<96xi32, #tpu.memory_space<vmem>>
      %dma_wait3A_454 = arith.constant 0 : i32
      %dma_wait3A_455 = arith.constant 0 : i32
      %dma_wait3A_456 = tpu.memref_slice %arg3[%dma_wait3A_454, %dma_wait3A_455] : memref<100000x64xf32, #tpu.memory_space<hbm>> -> memref<100000x64xf32, #tpu.memory_space<hbm>>
      tpu.wait_indirect_dma semaphore(%arg11 : memref<!tpu.dma_semaphore, #tpu.memory_space<semaphore_mem>>) src(%dma_wait3A_456 : memref<100000x64xf32, #tpu.memory_space<hbm>>) dst(%dma_wait3A_452 : memref<96x64xf32, #tpu.memory_space<vmem>>)
      %mul3A_457 = arith.constant 200 : i32
      %mul3A_458 = arith.muli %add3A_445, %mul3A_457 : i32
      %add3A_459 = arith.constant 96 : i32
      %add3A_460 = arith.addi %mul3A_458, %add3A_459 : i32
      %dma_wait3A_461 = arith.constant 3 : i32
      %dma_wait3A_462 = arith.constant 96 : i32
      %dma_wait3A_463 = arith.constant 0 : i32
      %dma_wait3A_464 = tpu.memref_slice %arg6[%dma_wait3A_461, %dma_wait3A_462, %dma_wait3A_463] : memref<4x200x64xf32, #tpu.memory_space<vmem>> -> memref<1x104x64xf32, #tpu.memory_space<vmem>>
      %dma_wait3A_465 = tpu.memref_squeeze %dma_wait3A_464 : memref<1x104x64xf32, #tpu.memory_space<vmem>> -> memref<104x64xf32, #tpu.memory_space<vmem>>
      %dma_wait3A_466 = tpu.memref_slice %arg5[%add3A_460] : memref<25600xi32, #tpu.memory_space<vmem>> -> memref<104xi32, #tpu.memory_space<vmem>>
      %dma_wait3A_467 = arith.constant 0 : i32
      %dma_wait3A_468 = arith.constant 0 : i32
      %dma_wait3A_469 = tpu.memref_slice %arg3[%dma_wait3A_467, %dma_wait3A_468] : memref<100000x64xf32, #tpu.memory_space<hbm>> -> memref<100000x64xf32, #tpu.memory_space<hbm>>
      tpu.wait_indirect_dma semaphore(%arg11 : memref<!tpu.dma_semaphore, #tpu.memory_space<semaphore_mem>>) src(%dma_wait3A_469 : memref<100000x64xf32, #tpu.memory_space<hbm>>) dst(%dma_wait3A_465 : memref<104x64xf32, #tpu.memory_space<vmem>>)
      %broadcast_in_dim3A_470 = arith.constant 0.000000e+00 : f32
      %broadcast_in_dim3A_471 = vector.broadcast %broadcast_in_dim3A_470 : f32 to vector<16xf32>
      %broadcast_in_dim3A_472 = arith.constant 0.000000e+00 : f32
      %broadcast_in_dim3A_473 = vector.broadcast %broadcast_in_dim3A_472 : f32 to vector<16xf32>
      %broadcast_in_dim3A_474 = arith.constant 0.000000e+00 : f32
      %broadcast_in_dim3A_475 = vector.broadcast %broadcast_in_dim3A_474 : f32 to vector<16xf32>
      %broadcast_in_dim3A_476 = arith.constant 0.000000e+00 : f32
      %broadcast_in_dim3A_477 = vector.broadcast %broadcast_in_dim3A_476 : f32 to vector<16xf32>
      %scan3A_478 = arith.constant 0 : i32
      %scan3A_479 = arith.constant 200 : i32
      %scan3A_480 = arith.addi %scan3A_478, %scan3A_479 : i32
      %scan3A_481 = arith.constant 8 : i32
      %scan3A_482:4 = scf.for %scan3A_536 = %scan3A_478 to %scan3A_480 step %scan3A_481 iter_args(%scan3A_537 = %broadcast_in_dim3A_471, %scan3A_538 = %broadcast_in_dim3A_473, %scan3A_539 = %broadcast_in_dim3A_475, %scan3A_540 = %broadcast_in_dim3A_477) -> (vector<16xf32>, vector<16xf32>, vector<16xf32>, vector<16xf32>)  : i32 {
        %get3A = arith.constant 3 : i32
        %get3A_541 = arith.index_cast %get3A : i32 to index
        %get3A_542 = arith.index_cast %scan3A_536 : i32 to index
        %get3A_543 = arith.constant 0 : index
        %get3A_544 = tpu.vector_load %arg6[%get3A_541, %get3A_542, %get3A_543] {strides = array<i32>} : memref<4x200x64xf32, #tpu.memory_space<vmem>>, vector<16xf32>,
        %add3A_545 = arith.addf %scan3A_537, %get3A_544 : vector<16xf32>
        %get3A_546 = arith.constant 3 : i32
        %get3A_547 = arith.index_cast %get3A_546 : i32 to index
        %get3A_548 = arith.index_cast %scan3A_536 : i32 to index
        %get3A_549 = arith.constant 16 : index
        %get3A_550 = tpu.vector_load %arg6[%get3A_547, %get3A_548, %get3A_549] {strides = array<i32>} : memref<4x200x64xf32, #tpu.memory_space<vmem>>, vector<16xf32>,
        %add3A_551 = arith.addf %scan3A_538, %get3A_550 : vector<16xf32>
        %get3A_552 = arith.constant 3 : i32
        %get3A_553 = arith.index_cast %get3A_552 : i32 to index
        %get3A_554 = arith.index_cast %scan3A_536 : i32 to index
        %get3A_555 = arith.constant 32 : index
        %get3A_556 = tpu.vector_load %arg6[%get3A_553, %get3A_554, %get3A_555] {strides = array<i32>} : memref<4x200x64xf32, #tpu.memory_space<vmem>>, vector<16xf32>,
        %add3A_557 = arith.addf %scan3A_539, %get3A_556 : vector<16xf32>
        %get3A_558 = arith.constant 3 : i32
        %get3A_559 = arith.index_cast %get3A_558 : i32 to index
        %get3A_560 = arith.index_cast %scan3A_536 : i32 to index
        %get3A_561 = arith.constant 48 : index
        %get3A_562 = tpu.vector_load %arg6[%get3A_559, %get3A_560, %get3A_561] {strides = array<i32>} : memref<4x200x64xf32, #tpu.memory_space<vmem>>, vector<16xf32>,
        %add3A_563 = arith.addf %scan3A_540, %get3A_562 : vector<16xf32>
        %scan3A_564 = arith.constant 1 : i32
        %scan3A_565 = arith.addi %scan3A_536, %scan3A_564 : i32
        %get3A_566 = arith.constant 3 : i32
        %get3A_567 = arith.index_cast %get3A_566 : i32 to index
        %get3A_568 = arith.index_cast %scan3A_565 : i32 to index
        %get3A_569 = arith.constant 0 : index
        %get3A_570 = tpu.vector_load %arg6[%get3A_567, %get3A_568, %get3A_569] {strides = array<i32>} : memref<4x200x64xf32, #tpu.memory_space<vmem>>, vector<16xf32>,
        %add3A_571 = arith.addf %add3A_545, %get3A_570 : vector<16xf32>
        %get3A_572 = arith.constant 3 : i32
        %get3A_573 = arith.index_cast %get3A_572 : i32 to index
        %get3A_574 = arith.index_cast %scan3A_565 : i32 to index
        %get3A_575 = arith.constant 16 : index
        %get3A_576 = tpu.vector_load %arg6[%get3A_573, %get3A_574, %get3A_575] {strides = array<i32>} : memref<4x200x64xf32, #tpu.memory_space<vmem>>, vector<16xf32>,
        %add3A_577 = arith.addf %add3A_551, %get3A_576 : vector<16xf32>
        %get3A_578 = arith.constant 3 : i32
        %get3A_579 = arith.index_cast %get3A_578 : i32 to index
        %get3A_580 = arith.index_cast %scan3A_565 : i32 to index
        %get3A_581 = arith.constant 32 : index
        %get3A_582 = tpu.vector_load %arg6[%get3A_579, %get3A_580, %get3A_581] {strides = array<i32>} : memref<4x200x64xf32, #tpu.memory_space<vmem>>, vector<16xf32>,
        %add3A_583 = arith.addf %add3A_557, %get3A_582 : vector<16xf32>
        %get3A_584 = arith.constant 3 : i32
        %get3A_585 = arith.index_cast %get3A_584 : i32 to index
        %get3A_586 = arith.index_cast %scan3A_565 : i32 to index
        %get3A_587 = arith.constant 48 : index
        %get3A_588 = tpu.vector_load %arg6[%get3A_585, %get3A_586, %get3A_587] {strides = array<i32>} : memref<4x200x64xf32, #tpu.memory_space<vmem>>, vector<16xf32>,
        %add3A_589 = arith.addf %add3A_563, %get3A_588 : vector<16xf32>
        %scan3A_590 = arith.constant 2 : i32
        %scan3A_591 = arith.addi %scan3A_536, %scan3A_590 : i32
        %get3A_592 = arith.constant 3 : i32
        %get3A_593 = arith.index_cast %get3A_592 : i32 to index
        %get3A_594 = arith.index_cast %scan3A_591 : i32 to index
        %get3A_595 = arith.constant 0 : index
        %get3A_596 = tpu.vector_load %arg6[%get3A_593, %get3A_594, %get3A_595] {strides = array<i32>} : memref<4x200x64xf32, #tpu.memory_space<vmem>>, vector<16xf32>,
        %add3A_597 = arith.addf %add3A_571, %get3A_596 : vector<16xf32>
        %get3A_598 = arith.constant 3 : i32
        %get3A_599 = arith.index_cast %get3A_598 : i32 to index
        %get3A_600 = arith.index_cast %scan3A_591 : i32 to index
        %get3A_601 = arith.constant 16 : index
        %get3A_602 = tpu.vector_load %arg6[%get3A_599, %get3A_600, %get3A_601] {strides = array<i32>} : memref<4x200x64xf32, #tpu.memory_space<vmem>>, vector<16xf32>,
        %add3A_603 = arith.addf %add3A_577, %get3A_602 : vector<16xf32>
        %get3A_604 = arith.constant 3 : i32
        %get3A_605 = arith.index_cast %get3A_604 : i32 to index
        %get3A_606 = arith.index_cast %scan3A_591 : i32 to index
        %get3A_607 = arith.constant 32 : index
        %get3A_608 = tpu.vector_load %arg6[%get3A_605, %get3A_606, %get3A_607] {strides = array<i32>} : memref<4x200x64xf32, #tpu.memory_space<vmem>>, vector<16xf32>,
        %add3A_609 = arith.addf %add3A_583, %get3A_608 : vector<16xf32>
        %get3A_610 = arith.constant 3 : i32
        %get3A_611 = arith.index_cast %get3A_610 : i32 to index
        %get3A_612 = arith.index_cast %scan3A_591 : i32 to index
        %get3A_613 = arith.constant 48 : index
        %get3A_614 = tpu.vector_load %arg6[%get3A_611, %get3A_612, %get3A_613] {strides = array<i32>} : memref<4x200x64xf32, #tpu.memory_space<vmem>>, vector<16xf32>,
        %add3A_615 = arith.addf %add3A_589, %get3A_614 : vector<16xf32>
        %scan3A_616 = arith.constant 3 : i32
        %scan3A_617 = arith.addi %scan3A_536, %scan3A_616 : i32
        %get3A_618 = arith.constant 3 : i32
        %get3A_619 = arith.index_cast %get3A_618 : i32 to index
        %get3A_620 = arith.index_cast %scan3A_617 : i32 to index
        %get3A_621 = arith.constant 0 : index
        %get3A_622 = tpu.vector_load %arg6[%get3A_619, %get3A_620, %get3A_621] {strides = array<i32>} : memref<4x200x64xf32, #tpu.memory_space<vmem>>, vector<16xf32>,
        %add3A_623 = arith.addf %add3A_597, %get3A_622 : vector<16xf32>
        %get3A_624 = arith.constant 3 : i32
        %get3A_625 = arith.index_cast %get3A_624 : i32 to index
        %get3A_626 = arith.index_cast %scan3A_617 : i32 to index
        %get3A_627 = arith.constant 16 : index
        %get3A_628 = tpu.vector_load %arg6[%get3A_625, %get3A_626, %get3A_627] {strides = array<i32>} : memref<4x200x64xf32, #tpu.memory_space<vmem>>, vector<16xf32>,
        %add3A_629 = arith.addf %add3A_603, %get3A_628 : vector<16xf32>
        %get3A_630 = arith.constant 3 : i32
        %get3A_631 = arith.index_cast %get3A_630 : i32 to index
        %get3A_632 = arith.index_cast %scan3A_617 : i32 to index
        %get3A_633 = arith.constant 32 : index
        %get3A_634 = tpu.vector_load %arg6[%get3A_631, %get3A_632, %get3A_633] {strides = array<i32>} : memref<4x200x64xf32, #tpu.memory_space<vmem>>, vector<16xf32>,
        %add3A_635 = arith.addf %add3A_609, %get3A_634 : vector<16xf32>
        %get3A_636 = arith.constant 3 : i32
        %get3A_637 = arith.index_cast %get3A_636 : i32 to index
        %get3A_638 = arith.index_cast %scan3A_617 : i32 to index
        %get3A_639 = arith.constant 48 : index
        %get3A_640 = tpu.vector_load %arg6[%get3A_637, %get3A_638, %get3A_639] {strides = array<i32>} : memref<4x200x64xf32, #tpu.memory_space<vmem>>, vector<16xf32>,
        %add3A_641 = arith.addf %add3A_615, %get3A_640 : vector<16xf32>
        %scan3A_642 = arith.constant 4 : i32
        %scan3A_643 = arith.addi %scan3A_536, %scan3A_642 : i32
        %get3A_644 = arith.constant 3 : i32
        %get3A_645 = arith.index_cast %get3A_644 : i32 to index
        %get3A_646 = arith.index_cast %scan3A_643 : i32 to index
        %get3A_647 = arith.constant 0 : index
        %get3A_648 = tpu.vector_load %arg6[%get3A_645, %get3A_646, %get3A_647] {strides = array<i32>} : memref<4x200x64xf32, #tpu.memory_space<vmem>>, vector<16xf32>,
        %add3A_649 = arith.addf %add3A_623, %get3A_648 : vector<16xf32>
        %get3A_650 = arith.constant 3 : i32
        %get3A_651 = arith.index_cast %get3A_650 : i32 to index
        %get3A_652 = arith.index_cast %scan3A_643 : i32 to index
        %get3A_653 = arith.constant 16 : index
        %get3A_654 = tpu.vector_load %arg6[%get3A_651, %get3A_652, %get3A_653] {strides = array<i32>} : memref<4x200x64xf32, #tpu.memory_space<vmem>>, vector<16xf32>,
        %add3A_655 = arith.addf %add3A_629, %get3A_654 : vector<16xf32>
        %get3A_656 = arith.constant 3 : i32
        %get3A_657 = arith.index_cast %get3A_656 : i32 to index
        %get3A_658 = arith.index_cast %scan3A_643 : i32 to index
        %get3A_659 = arith.constant 32 : index
        %get3A_660 = tpu.vector_load %arg6[%get3A_657, %get3A_658, %get3A_659] {strides = array<i32>} : memref<4x200x64xf32, #tpu.memory_space<vmem>>, vector<16xf32>,
        %add3A_661 = arith.addf %add3A_635, %get3A_660 : vector<16xf32>
        %get3A_662 = arith.constant 3 : i32
        %get3A_663 = arith.index_cast %get3A_662 : i32 to index
        %get3A_664 = arith.index_cast %scan3A_643 : i32 to index
        %get3A_665 = arith.constant 48 : index
        %get3A_666 = tpu.vector_load %arg6[%get3A_663, %get3A_664, %get3A_665] {strides = array<i32>} : memref<4x200x64xf32, #tpu.memory_space<vmem>>, vector<16xf32>,
        %add3A_667 = arith.addf %add3A_641, %get3A_666 : vector<16xf32>
        %scan3A_668 = arith.constant 5 : i32
        %scan3A_669 = arith.addi %scan3A_536, %scan3A_668 : i32
        %get3A_670 = arith.constant 3 : i32
        %get3A_671 = arith.index_cast %get3A_670 : i32 to index
        %get3A_672 = arith.index_cast %scan3A_669 : i32 to index
        %get3A_673 = arith.constant 0 : index
        %get3A_674 = tpu.vector_load %arg6[%get3A_671, %get3A_672, %get3A_673] {strides = array<i32>} : memref<4x200x64xf32, #tpu.memory_space<vmem>>, vector<16xf32>,
        %add3A_675 = arith.addf %add3A_649, %get3A_674 : vector<16xf32>
        %get3A_676 = arith.constant 3 : i32
        %get3A_677 = arith.index_cast %get3A_676 : i32 to index
        %get3A_678 = arith.index_cast %scan3A_669 : i32 to index
        %get3A_679 = arith.constant 16 : index
        %get3A_680 = tpu.vector_load %arg6[%get3A_677, %get3A_678, %get3A_679] {strides = array<i32>} : memref<4x200x64xf32, #tpu.memory_space<vmem>>, vector<16xf32>,
        %add3A_681 = arith.addf %add3A_655, %get3A_680 : vector<16xf32>
        %get3A_682 = arith.constant 3 : i32
        %get3A_683 = arith.index_cast %get3A_682 : i32 to index
        %get3A_684 = arith.index_cast %scan3A_669 : i32 to index
        %get3A_685 = arith.constant 32 : index
        %get3A_686 = tpu.vector_load %arg6[%get3A_683, %get3A_684, %get3A_685] {strides = array<i32>} : memref<4x200x64xf32, #tpu.memory_space<vmem>>, vector<16xf32>,
        %add3A_687 = arith.addf %add3A_661, %get3A_686 : vector<16xf32>
        %get3A_688 = arith.constant 3 : i32
        %get3A_689 = arith.index_cast %get3A_688 : i32 to index
        %get3A_690 = arith.index_cast %scan3A_669 : i32 to index
        %get3A_691 = arith.constant 48 : index
        %get3A_692 = tpu.vector_load %arg6[%get3A_689, %get3A_690, %get3A_691] {strides = array<i32>} : memref<4x200x64xf32, #tpu.memory_space<vmem>>, vector<16xf32>,
        %add3A_693 = arith.addf %add3A_667, %get3A_692 : vector<16xf32>
        %scan3A_694 = arith.constant 6 : i32
        %scan3A_695 = arith.addi %scan3A_536, %scan3A_694 : i32
        %get3A_696 = arith.constant 3 : i32
        %get3A_697 = arith.index_cast %get3A_696 : i32 to index
        %get3A_698 = arith.index_cast %scan3A_695 : i32 to index
        %get3A_699 = arith.constant 0 : index
        %get3A_700 = tpu.vector_load %arg6[%get3A_697, %get3A_698, %get3A_699] {strides = array<i32>} : memref<4x200x64xf32, #tpu.memory_space<vmem>>, vector<16xf32>,
        %add3A_701 = arith.addf %add3A_675, %get3A_700 : vector<16xf32>
        %get3A_702 = arith.constant 3 : i32
        %get3A_703 = arith.index_cast %get3A_702 : i32 to index
        %get3A_704 = arith.index_cast %scan3A_695 : i32 to index
        %get3A_705 = arith.constant 16 : index
        %get3A_706 = tpu.vector_load %arg6[%get3A_703, %get3A_704, %get3A_705] {strides = array<i32>} : memref<4x200x64xf32, #tpu.memory_space<vmem>>, vector<16xf32>,
        %add3A_707 = arith.addf %add3A_681, %get3A_706 : vector<16xf32>
        %get3A_708 = arith.constant 3 : i32
        %get3A_709 = arith.index_cast %get3A_708 : i32 to index
        %get3A_710 = arith.index_cast %scan3A_695 : i32 to index
        %get3A_711 = arith.constant 32 : index
        %get3A_712 = tpu.vector_load %arg6[%get3A_709, %get3A_710, %get3A_711] {strides = array<i32>} : memref<4x200x64xf32, #tpu.memory_space<vmem>>, vector<16xf32>,
        %add3A_713 = arith.addf %add3A_687, %get3A_712 : vector<16xf32>
        %get3A_714 = arith.constant 3 : i32
        %get3A_715 = arith.index_cast %get3A_714 : i32 to index
        %get3A_716 = arith.index_cast %scan3A_695 : i32 to index
        %get3A_717 = arith.constant 48 : index
        %get3A_718 = tpu.vector_load %arg6[%get3A_715, %get3A_716, %get3A_717] {strides = array<i32>} : memref<4x200x64xf32, #tpu.memory_space<vmem>>, vector<16xf32>,
        %add3A_719 = arith.addf %add3A_693, %get3A_718 : vector<16xf32>
        %scan3A_720 = arith.constant 7 : i32
        %scan3A_721 = arith.addi %scan3A_536, %scan3A_720 : i32
        %get3A_722 = arith.constant 3 : i32
        %get3A_723 = arith.index_cast %get3A_722 : i32 to index
        %get3A_724 = arith.index_cast %scan3A_721 : i32 to index
        %get3A_725 = arith.constant 0 : index
        %get3A_726 = tpu.vector_load %arg6[%get3A_723, %get3A_724, %get3A_725] {strides = array<i32>} : memref<4x200x64xf32, #tpu.memory_space<vmem>>, vector<16xf32>,
        %add3A_727 = arith.addf %add3A_701, %get3A_726 : vector<16xf32>
        %get3A_728 = arith.constant 3 : i32
        %get3A_729 = arith.index_cast %get3A_728 : i32 to index
        %get3A_730 = arith.index_cast %scan3A_721 : i32 to index
        %get3A_731 = arith.constant 16 : index
        %get3A_732 = tpu.vector_load %arg6[%get3A_729, %get3A_730, %get3A_731] {strides = array<i32>} : memref<4x200x64xf32, #tpu.memory_space<vmem>>, vector<16xf32>,
        %add3A_733 = arith.addf %add3A_707, %get3A_732 : vector<16xf32>
        %get3A_734 = arith.constant 3 : i32
        %get3A_735 = arith.index_cast %get3A_734 : i32 to index
        %get3A_736 = arith.index_cast %scan3A_721 : i32 to index
        %get3A_737 = arith.constant 32 : index
        %get3A_738 = tpu.vector_load %arg6[%get3A_735, %get3A_736, %get3A_737] {strides = array<i32>} : memref<4x200x64xf32, #tpu.memory_space<vmem>>, vector<16xf32>,
        %add3A_739 = arith.addf %add3A_713, %get3A_738 : vector<16xf32>
        %get3A_740 = arith.constant 3 : i32
        %get3A_741 = arith.index_cast %get3A_740 : i32 to index
        %get3A_742 = arith.index_cast %scan3A_721 : i32 to index
        %get3A_743 = arith.constant 48 : index
        %get3A_744 = tpu.vector_load %arg6[%get3A_741, %get3A_742, %get3A_743] {strides = array<i32>} : memref<4x200x64xf32, #tpu.memory_space<vmem>>, vector<16xf32>,
        %add3A_745 = arith.addf %add3A_719, %get3A_744 : vector<16xf32>
        scf.yield %add3A_727, %add3A_733, %add3A_739, %add3A_745 : vector<16xf32>, vector<16xf32>, vector<16xf32>, vector<16xf32>
      }
      %scan3A_483 = arith.constant 200 : i32
      %mul3A_484 = arith.constant 5.000000e-03 : f32
      %mul3A_485 = vector.broadcast %mul3A_484 : f32 to vector<16xf32>
      %mul3A_486 = arith.mulf %scan3A_482#0, %mul3A_485 : vector<16xf32>
      %swap3A_487 = arith.index_cast %add3A_445 : i32 to index
      %swap3A_488 = arith.constant 0 : index
      %swap3A_489 = tpu.vector_load %arg7[%swap3A_487, %swap3A_488] {strides = array<i32>} : memref<128x64xf32, #tpu.memory_space<vmem>>, vector<16xf32>,
      tpu.vector_store %arg7[%swap3A_487, %swap3A_488], %mul3A_486 {strides = array<i32>} : memref<128x64xf32, #tpu.memory_space<vmem>>, vector<16xf32>,
      %mul3A_490 = arith.constant 5.000000e-03 : f32
      %mul3A_491 = vector.broadcast %mul3A_490 : f32 to vector<16xf32>
      %mul3A_492 = arith.mulf %scan3A_482#1, %mul3A_491 : vector<16xf32>
      %swap3A_493 = arith.index_cast %add3A_445 : i32 to index
      %swap3A_494 = arith.constant 16 : index
      %swap3A_495 = tpu.vector_load %arg7[%swap3A_493, %swap3A_494] {strides = array<i32>} : memref<128x64xf32, #tpu.memory_space<vmem>>, vector<16xf32>,
      tpu.vector_store %arg7[%swap3A_493, %swap3A_494], %mul3A_492 {strides = array<i32>} : memref<128x64xf32, #tpu.memory_space<vmem>>, vector<16xf32>,
      %mul3A_496 = arith.constant 5.000000e-03 : f32
      %mul3A_497 = vector.broadcast %mul3A_496 : f32 to vector<16xf32>
      %mul3A_498 = arith.mulf %scan3A_482#2, %mul3A_497 : vector<16xf32>
      %swap3A_499 = arith.index_cast %add3A_445 : i32 to index
      %swap3A_500 = arith.constant 32 : index
      %swap3A_501 = tpu.vector_load %arg7[%swap3A_499, %swap3A_500] {strides = array<i32>} : memref<128x64xf32, #tpu.memory_space<vmem>>, vector<16xf32>,
      tpu.vector_store %arg7[%swap3A_499, %swap3A_500], %mul3A_498 {strides = array<i32>} : memref<128x64xf32, #tpu.memory_space<vmem>>, vector<16xf32>,
      %mul3A_502 = arith.constant 5.000000e-03 : f32
      %mul3A_503 = vector.broadcast %mul3A_502 : f32 to vector<16xf32>
      %mul3A_504 = arith.mulf %scan3A_482#3, %mul3A_503 : vector<16xf32>
      %swap3A_505 = arith.index_cast %add3A_445 : i32 to index
      %swap3A_506 = arith.constant 48 : index
      %swap3A_507 = tpu.vector_load %arg7[%swap3A_505, %swap3A_506] {strides = array<i32>} : memref<128x64xf32, #tpu.memory_space<vmem>>, vector<16xf32>,
      tpu.vector_store %arg7[%swap3A_505, %swap3A_506], %mul3A_504 {strides = array<i32>} : memref<128x64xf32, #tpu.memory_space<vmem>>, vector<16xf32>,
      %add3A_508 = arith.constant 4 : i32
      %add3A_509 = arith.addi %add3A_445, %add3A_508 : i32
      %rem3A_510 = arith.constant 128 : i32
      %rem3A_511 = arith.remsi %add3A_509, %rem3A_510 : i32
      %mul3A_512 = arith.constant 200 : i32
      %mul3A_513 = arith.muli %rem3A_511, %mul3A_512 : i32
      %dma_start3A_514 = arith.constant 3 : i32
      %dma_start3A_515 = arith.constant 0 : i32
      %dma_start3A_516 = arith.constant 0 : i32
      %dma_start3A_517 = tpu.memref_slice %arg6[%dma_start3A_514, %dma_start3A_515, %dma_start3A_516] : memref<4x200x64xf32, #tpu.memory_space<vmem>> -> memref<1x96x64xf32, #tpu.memory_space<vmem>>
      %dma_start3A_518 = tpu.memref_squeeze %dma_start3A_517 : memref<1x96x64xf32, #tpu.memory_space<vmem>> -> memref<96x64xf32, #tpu.memory_space<vmem>>
      %dma_start3A_519 = tpu.memref_slice %arg5[%mul3A_513] : memref<25600xi32, #tpu.memory_space<vmem>> -> memref<96xi32, #tpu.memory_space<vmem>>
      %dma_start3A_520 = arith.constant 0 : i32
      %dma_start3A_521 = arith.constant 0 : i32
      %dma_start3A_522 = tpu.memref_slice %arg3[%dma_start3A_520, %dma_start3A_521] : memref<100000x64xf32, #tpu.memory_space<hbm>> -> memref<100000x64xf32, #tpu.memory_space<hbm>>
      tpu.enqueue_indirect_dma source(%dma_start3A_522 : memref<100000x64xf32, #tpu.memory_space<hbm>>) target(%dma_start3A_518 : memref<96x64xf32, #tpu.memory_space<vmem>>) offsets(%dma_start3A_519 : memref<96xi32, #tpu.memory_space<vmem>>) semaphore(%arg11 : memref<!tpu.dma_semaphore, #tpu.memory_space<semaphore_mem>>)
      %mul3A_523 = arith.constant 200 : i32
      %mul3A_524 = arith.muli %rem3A_511, %mul3A_523 : i32
      %add3A_525 = arith.constant 96 : i32
      %add3A_526 = arith.addi %mul3A_524, %add3A_525 : i32
      %dma_start3A_527 = arith.constant 3 : i32
      %dma_start3A_528 = arith.constant 96 : i32
      %dma_start3A_529 = arith.constant 0 : i32
      %dma_start3A_530 = tpu.memref_slice %arg6[%dma_start3A_527, %dma_start3A_528, %dma_start3A_529] : memref<4x200x64xf32, #tpu.memory_space<vmem>> -> memref<1x104x64xf32, #tpu.memory_space<vmem>>
      %dma_start3A_531 = tpu.memref_squeeze %dma_start3A_530 : memref<1x104x64xf32, #tpu.memory_space<vmem>> -> memref<104x64xf32, #tpu.memory_space<vmem>>
      %dma_start3A_532 = tpu.memref_slice %arg5[%add3A_526] : memref<25600xi32, #tpu.memory_space<vmem>> -> memref<104xi32, #tpu.memory_space<vmem>>
      %dma_start3A_533 = arith.constant 0 : i32
      %dma_start3A_534 = arith.constant 0 : i32
      %dma_start3A_535 = tpu.memref_slice %arg3[%dma_start3A_533, %dma_start3A_534] : memref<100000x64xf32, #tpu.memory_space<hbm>> -> memref<100000x64xf32, #tpu.memory_space<hbm>>
      tpu.enqueue_indirect_dma source(%dma_start3A_535 : memref<100000x64xf32, #tpu.memory_space<hbm>>) target(%dma_start3A_531 : memref<104x64xf32, #tpu.memory_space<vmem>>) offsets(%dma_start3A_532 : memref<104xi32, #tpu.memory_space<vmem>>) semaphore(%arg11 : memref<!tpu.dma_semaphore, #tpu.memory_space<semaphore_mem>>)
    }
    %scan3A_88 = arith.constant 32 : i32
    %dma_wait3A = arith.constant 0 : i32
    %dma_wait3A_89 = arith.constant 0 : i32
    %dma_wait3A_90 = arith.constant 0 : i32
    %dma_wait3A_91 = tpu.memref_slice %arg6[%dma_wait3A, %dma_wait3A_89, %dma_wait3A_90] : memref<4x200x64xf32, #tpu.memory_space<vmem>> -> memref<1x96x64xf32, #tpu.memory_space<vmem>>
    %dma_wait3A_92 = tpu.memref_squeeze %dma_wait3A_91 : memref<1x96x64xf32, #tpu.memory_space<vmem>> -> memref<96x64xf32, #tpu.memory_space<vmem>>
    %dma_wait3A_93 = arith.constant 0 : i32
    %dma_wait3A_94 = tpu.memref_slice %arg5[%dma_wait3A_93] : memref<25600xi32, #tpu.memory_space<vmem>> -> memref<96xi32, #tpu.memory_space<vmem>>
    %dma_wait3A_95 = arith.constant 0 : i32
    %dma_wait3A_96 = arith.constant 0 : i32
    %dma_wait3A_97 = tpu.memref_slice %arg3[%dma_wait3A_95, %dma_wait3A_96] : memref<100000x64xf32, #tpu.memory_space<hbm>> -> memref<100000x64xf32, #tpu.memory_space<hbm>>
    tpu.wait_indirect_dma semaphore(%arg8 : memref<!tpu.dma_semaphore, #tpu.memory_space<semaphore_mem>>) src(%dma_wait3A_97 : memref<100000x64xf32, #tpu.memory_space<hbm>>) dst(%dma_wait3A_92 : memref<96x64xf32, #tpu.memory_space<vmem>>)
    %dma_wait3A_98 = arith.constant 0 : i32
    %dma_wait3A_99 = arith.constant 96 : i32
    %dma_wait3A_100 = arith.constant 0 : i32
    %dma_wait3A_101 = tpu.memref_slice %arg6[%dma_wait3A_98, %dma_wait3A_99, %dma_wait3A_100] : memref<4x200x64xf32, #tpu.memory_space<vmem>> -> memref<1x104x64xf32, #tpu.memory_space<vmem>>
    %dma_wait3A_102 = tpu.memref_squeeze %dma_wait3A_101 : memref<1x104x64xf32, #tpu.memory_space<vmem>> -> memref<104x64xf32, #tpu.memory_space<vmem>>
    %dma_wait3A_103 = arith.constant 96 : i32
    %dma_wait3A_104 = tpu.memref_slice %arg5[%dma_wait3A_103] : memref<25600xi32, #tpu.memory_space<vmem>> -> memref<104xi32, #tpu.memory_space<vmem>>
    %dma_wait3A_105 = arith.constant 0 : i32
    %dma_wait3A_106 = arith.constant 0 : i32
    %dma_wait3A_107 = tpu.memref_slice %arg3[%dma_wait3A_105, %dma_wait3A_106] : memref<100000x64xf32, #tpu.memory_space<hbm>> -> memref<100000x64xf32, #tpu.memory_space<hbm>>
    tpu.wait_indirect_dma semaphore(%arg8 : memref<!tpu.dma_semaphore, #tpu.memory_space<semaphore_mem>>) src(%dma_wait3A_107 : memref<100000x64xf32, #tpu.memory_space<hbm>>) dst(%dma_wait3A_102 : memref<104x64xf32, #tpu.memory_space<vmem>>)
    %dma_wait3A_108 = arith.constant 1 : i32
    %dma_wait3A_109 = arith.constant 0 : i32
    %dma_wait3A_110 = arith.constant 0 : i32
    %dma_wait3A_111 = tpu.memref_slice %arg6[%dma_wait3A_108, %dma_wait3A_109, %dma_wait3A_110] : memref<4x200x64xf32, #tpu.memory_space<vmem>> -> memref<1x96x64xf32, #tpu.memory_space<vmem>>
    %dma_wait3A_112 = tpu.memref_squeeze %dma_wait3A_111 : memref<1x96x64xf32, #tpu.memory_space<vmem>> -> memref<96x64xf32, #tpu.memory_space<vmem>>
    %dma_wait3A_113 = arith.constant 200 : i32
    %dma_wait3A_114 = tpu.memref_slice %arg5[%dma_wait3A_113] : memref<25600xi32, #tpu.memory_space<vmem>> -> memref<96xi32, #tpu.memory_space<vmem>>
    %dma_wait3A_115 = arith.constant 0 : i32
    %dma_wait3A_116 = arith.constant 0 : i32
    %dma_wait3A_117 = tpu.memref_slice %arg3[%dma_wait3A_115, %dma_wait3A_116] : memref<100000x64xf32, #tpu.memory_space<hbm>> -> memref<100000x64xf32, #tpu.memory_space<hbm>>
    tpu.wait_indirect_dma semaphore(%arg9 : memref<!tpu.dma_semaphore, #tpu.memory_space<semaphore_mem>>) src(%dma_wait3A_117 : memref<100000x64xf32, #tpu.memory_space<hbm>>) dst(%dma_wait3A_112 : memref<96x64xf32, #tpu.memory_space<vmem>>)
    %dma_wait3A_118 = arith.constant 1 : i32
    %dma_wait3A_119 = arith.constant 96 : i32
    %dma_wait3A_120 = arith.constant 0 : i32
    %dma_wait3A_121 = tpu.memref_slice %arg6[%dma_wait3A_118, %dma_wait3A_119, %dma_wait3A_120] : memref<4x200x64xf32, #tpu.memory_space<vmem>> -> memref<1x104x64xf32, #tpu.memory_space<vmem>>
    %dma_wait3A_122 = tpu.memref_squeeze %dma_wait3A_121 : memref<1x104x64xf32, #tpu.memory_space<vmem>> -> memref<104x64xf32, #tpu.memory_space<vmem>>
    %dma_wait3A_123 = arith.constant 296 : i32
    %dma_wait3A_124 = tpu.memref_slice %arg5[%dma_wait3A_123] : memref<25600xi32, #tpu.memory_space<vmem>> -> memref<104xi32, #tpu.memory_space<vmem>>
    %dma_wait3A_125 = arith.constant 0 : i32
    %dma_wait3A_126 = arith.constant 0 : i32
    %dma_wait3A_127 = tpu.memref_slice %arg3[%dma_wait3A_125, %dma_wait3A_126] : memref<100000x64xf32, #tpu.memory_space<hbm>> -> memref<100000x64xf32, #tpu.memory_space<hbm>>
    tpu.wait_indirect_dma semaphore(%arg9 : memref<!tpu.dma_semaphore, #tpu.memory_space<semaphore_mem>>) src(%dma_wait3A_127 : memref<100000x64xf32, #tpu.memory_space<hbm>>) dst(%dma_wait3A_122 : memref<104x64xf32, #tpu.memory_space<vmem>>)
    %dma_wait3A_128 = arith.constant 2 : i32
    %dma_wait3A_129 = arith.constant 0 : i32
    %dma_wait3A_130 = arith.constant 0 : i32
    %dma_wait3A_131 = tpu.memref_slice %arg6[%dma_wait3A_128, %dma_wait3A_129, %dma_wait3A_130] : memref<4x200x64xf32, #tpu.memory_space<vmem>> -> memref<1x96x64xf32, #tpu.memory_space<vmem>>
    %dma_wait3A_132 = tpu.memref_squeeze %dma_wait3A_131 : memref<1x96x64xf32, #tpu.memory_space<vmem>> -> memref<96x64xf32, #tpu.memory_space<vmem>>
    %dma_wait3A_133 = arith.constant 400 : i32
    %dma_wait3A_134 = tpu.memref_slice %arg5[%dma_wait3A_133] : memref<25600xi32, #tpu.memory_space<vmem>> -> memref<96xi32, #tpu.memory_space<vmem>>
    %dma_wait3A_135 = arith.constant 0 : i32
    %dma_wait3A_136 = arith.constant 0 : i32
    %dma_wait3A_137 = tpu.memref_slice %arg3[%dma_wait3A_135, %dma_wait3A_136] : memref<100000x64xf32, #tpu.memory_space<hbm>> -> memref<100000x64xf32, #tpu.memory_space<hbm>>
    tpu.wait_indirect_dma semaphore(%arg10 : memref<!tpu.dma_semaphore, #tpu.memory_space<semaphore_mem>>) src(%dma_wait3A_137 : memref<100000x64xf32, #tpu.memory_space<hbm>>) dst(%dma_wait3A_132 : memref<96x64xf32, #tpu.memory_space<vmem>>)
    %dma_wait3A_138 = arith.constant 2 : i32
    %dma_wait3A_139 = arith.constant 96 : i32
    %dma_wait3A_140 = arith.constant 0 : i32
    %dma_wait3A_141 = tpu.memref_slice %arg6[%dma_wait3A_138, %dma_wait3A_139, %dma_wait3A_140] : memref<4x200x64xf32, #tpu.memory_space<vmem>> -> memref<1x104x64xf32, #tpu.memory_space<vmem>>
    %dma_wait3A_142 = tpu.memref_squeeze %dma_wait3A_141 : memref<1x104x64xf32, #tpu.memory_space<vmem>> -> memref<104x64xf32, #tpu.memory_space<vmem>>
    %dma_wait3A_143 = arith.constant 496 : i32
    %dma_wait3A_144 = tpu.memref_slice %arg5[%dma_wait3A_143] : memref<25600xi32, #tpu.memory_space<vmem>> -> memref<104xi32, #tpu.memory_space<vmem>>
    %dma_wait3A_145 = arith.constant 0 : i32
    %dma_wait3A_146 = arith.constant 0 : i32
    %dma_wait3A_147 = tpu.memref_slice %arg3[%dma_wait3A_145, %dma_wait3A_146] : memref<100000x64xf32, #tpu.memory_space<hbm>> -> memref<100000x64xf32, #tpu.memory_space<hbm>>
    tpu.wait_indirect_dma semaphore(%arg10 : memref<!tpu.dma_semaphore, #tpu.memory_space<semaphore_mem>>) src(%dma_wait3A_147 : memref<100000x64xf32, #tpu.memory_space<hbm>>) dst(%dma_wait3A_142 : memref<104x64xf32, #tpu.memory_space<vmem>>)
    %dma_wait3A_148 = arith.constant 3 : i32
    %dma_wait3A_149 = arith.constant 0 : i32
    %dma_wait3A_150 = arith.constant 0 : i32
    %dma_wait3A_151 = tpu.memref_slice %arg6[%dma_wait3A_148, %dma_wait3A_149, %dma_wait3A_150] : memref<4x200x64xf32, #tpu.memory_space<vmem>> -> memref<1x96x64xf32, #tpu.memory_space<vmem>>
    %dma_wait3A_152 = tpu.memref_squeeze %dma_wait3A_151 : memref<1x96x64xf32, #tpu.memory_space<vmem>> -> memref<96x64xf32, #tpu.memory_space<vmem>>
    %dma_wait3A_153 = arith.constant 600 : i32
    %dma_wait3A_154 = tpu.memref_slice %arg5[%dma_wait3A_153] : memref<25600xi32, #tpu.memory_space<vmem>> -> memref<96xi32, #tpu.memory_space<vmem>>
    %dma_wait3A_155 = arith.constant 0 : i32
    %dma_wait3A_156 = arith.constant 0 : i32
    %dma_wait3A_157 = tpu.memref_slice %arg3[%dma_wait3A_155, %dma_wait3A_156] : memref<100000x64xf32, #tpu.memory_space<hbm>> -> memref<100000x64xf32, #tpu.memory_space<hbm>>
    tpu.wait_indirect_dma semaphore(%arg11 : memref<!tpu.dma_semaphore, #tpu.memory_space<semaphore_mem>>) src(%dma_wait3A_157 : memref<100000x64xf32, #tpu.memory_space<hbm>>) dst(%dma_wait3A_152 : memref<96x64xf32, #tpu.memory_space<vmem>>)
    %dma_wait3A_158 = arith.constant 3 : i32
    %dma_wait3A_159 = arith.constant 96 : i32
    %dma_wait3A_160 = arith.constant 0 : i32
    %dma_wait3A_161 = tpu.memref_slice %arg6[%dma_wait3A_158, %dma_wait3A_159, %dma_wait3A_160] : memref<4x200x64xf32, #tpu.memory_space<vmem>> -> memref<1x104x64xf32, #tpu.memory_space<vmem>>
    %dma_wait3A_162 = tpu.memref_squeeze %dma_wait3A_161 : memref<1x104x64xf32, #tpu.memory_space<vmem>> -> memref<104x64xf32, #tpu.memory_space<vmem>>
    %dma_wait3A_163 = arith.constant 696 : i32
    %dma_wait3A_164 = tpu.memref_slice %arg5[%dma_wait3A_163] : memref<25600xi32, #tpu.memory_space<vmem>> -> memref<104xi32, #tpu.memory_space<vmem>>
    %dma_wait3A_165 = arith.constant 0 : i32
    %dma_wait3A_166 = arith.constant 0 : i32
    %dma_wait3A_167 = tpu.memref_slice %arg3[%dma_wait3A_165, %dma_wait3A_166] : memref<100000x64xf32, #tpu.memory_space<hbm>> -> memref<100000x64xf32, #tpu.memory_space<hbm>>
    tpu.wait_indirect_dma semaphore(%arg11 : memref<!tpu.dma_semaphore, #tpu.memory_space<semaphore_mem>>) src(%dma_wait3A_167 : memref<100000x64xf32, #tpu.memory_space<hbm>>) dst(%dma_wait3A_162 : memref<104x64xf32, #tpu.memory_space<vmem>>)
    "tpu.region"() ({
      %run_scoped3A = tpu.sem_alloc : memref<!tpu.dma_semaphore, #tpu.memory_space<semaphore_mem>>
      %dma_start3A_168 = arith.constant 0 : i32
      %dma_start3A_169 = tpu.memref_slice %arg4[%mul3A_2, %dma_start3A_168] : memref<4096x64xf32, #tpu.memory_space<hbm>> -> memref<128x64xf32, #tpu.memory_space<hbm>>
      %dma_start3A_170 = arith.constant 0 : i32
      %dma_start3A_171 = tpu.memref_slice %arg4[%mul3A_2, %dma_start3A_170] : memref<4096x64xf32, #tpu.memory_space<hbm>> -> memref<128x64xf32, #tpu.memory_space<hbm>>
      tpu.enqueue_dma source(%arg7 : memref<128x64xf32, #tpu.memory_space<vmem>>) target(%dma_start3A_171 : memref<128x64xf32, #tpu.memory_space<hbm>>) target_semaphore(%run_scoped3A : memref<!tpu.dma_semaphore, #tpu.memory_space<semaphore_mem>>)
      %dma_wait3A_172 = arith.constant 0 : i32
      %dma_wait3A_173 = tpu.memref_slice %arg4[%mul3A_2, %dma_wait3A_172] : memref<4096x64xf32, #tpu.memory_space<hbm>> -> memref<128x64xf32, #tpu.memory_space<hbm>>
      %dma_wait3A_174 = arith.constant 0 : i32
      %dma_wait3A_175 = tpu.memref_slice %arg4[%mul3A_2, %dma_wait3A_174] : memref<4096x64xf32, #tpu.memory_space<hbm>> -> memref<128x64xf32, #tpu.memory_space<hbm>>
      tpu.wait_dma2 semaphore(%run_scoped3A : memref<!tpu.dma_semaphore, #tpu.memory_space<semaphore_mem>>) src(%arg7 : memref<128x64xf32, #tpu.memory_space<vmem>>) dst(%dma_wait3A_175 : memref<128x64xf32, #tpu.memory_space<hbm>>)
      tpu.yield
    }) : () -> ()
    return
  }
}

module attributes {stable_mosaic.version = 14 : i64} {
  func.func @_mlp_body(%arg0: i32, %arg1: memref<512x64xf32, #tpu.memory_space<vmem>>, %arg2: memref<64x128xf32, #tpu.memory_space<vmem>>, %arg3: memref<1x128xf32, #tpu.memory_space<vmem>>, %arg4: memref<128x100xf32, #tpu.memory_space<vmem>>, %arg5: memref<1x100xf32, #tpu.memory_space<vmem>>, %arg6: memref<512x100xf32, #tpu.memory_space<vmem>>) attributes {dimension_semantics = [#tpu.dimension_semantics<arbitrary>], iteration_bounds = array<i64: 8>, scalar_prefetch = 0 : i64, scratch_operands = 0 : i64, tpu.core_type = #tpu.core_type<tc>, window_params = [{transform_indices = @transform_0, window_bounds = array<i64: 512, 64>}, {pipeline_mode = #tpu.pipeline_mode<synchronous>, transform_indices = @transform_1, window_bounds = array<i64: 64, 128>}, {pipeline_mode = #tpu.pipeline_mode<synchronous>, transform_indices = @transform_2, window_bounds = array<i64: 1, 128>}, {pipeline_mode = #tpu.pipeline_mode<synchronous>, transform_indices = @transform_3, window_bounds = array<i64: 128, 100>}, {pipeline_mode = #tpu.pipeline_mode<synchronous>, transform_indices = @transform_4, window_bounds = array<i64: 1, 100>}, {transform_indices = @transform_5, window_bounds = array<i64: 512, 100>}]} {
    %get3A = arith.constant 0 : index
    %get3A_0 = arith.constant 0 : index
    %get3A_1 = vector.load %arg1[%get3A, %get3A_0] : memref<512x64xf32, #tpu.memory_space<vmem>>, vector<512x64xf32>
    %get3A_2 = arith.constant 0 : index
    %get3A_3 = arith.constant 0 : index
    %get3A_4 = vector.load %arg2[%get3A_2, %get3A_3] : memref<64x128xf32, #tpu.memory_space<vmem>>, vector<64x128xf32>
    %dot_general3A = arith.constant dense<0.000000e+00> : vector<512x128xf32>
    %dot_general3A_5 = tpu.matmul %get3A_1, %get3A_4, %dot_general3A {dimension_numbers = #tpu.dot_dimension_numbers<[1], [0], [0], [1], [0, 0, 1, 1], [], []>, transpose_lhs_hint = false} : vector<512x64xf32>, vector<64x128xf32>, vector<512x128xf32> -> vector<512x128xf32>
    %get3A_6 = arith.constant 0 : index
    %get3A_7 = arith.constant 0 : index
    %get3A_8 = vector.load %arg3[%get3A_6, %get3A_7] : memref<1x128xf32, #tpu.memory_space<vmem>>, vector<1x128xf32>
    %add3A = vector.broadcast %get3A_8 : vector<1x128xf32> to vector<512x128xf32>
    %add3A_9 = arith.addf %dot_general3A_5, %add3A : vector<512x128xf32>
    %max3A = arith.constant 0.000000e+00 : f32
    %max3A_10 = vector.broadcast %max3A : f32 to vector<512x128xf32>
    %max3A_11 = arith.maximumf %add3A_9, %max3A_10 : vector<512x128xf32>
    %get3A_12 = arith.constant 0 : index
    %get3A_13 = arith.constant 0 : index
    %get3A_14 = vector.load %arg4[%get3A_12, %get3A_13] : memref<128x100xf32, #tpu.memory_space<vmem>>, vector<128x100xf32>
    %dot_general3A_15 = arith.constant dense<0.000000e+00> : vector<512x100xf32>
    %dot_general3A_16 = tpu.matmul %max3A_11, %get3A_14, %dot_general3A_15 {dimension_numbers = #tpu.dot_dimension_numbers<[1], [0], [0], [1], [0, 0, 1, 1], [], []>, transpose_lhs_hint = false} : vector<512x128xf32>, vector<128x100xf32>, vector<512x100xf32> -> vector<512x100xf32>
    %get3A_17 = arith.constant 0 : index
    %get3A_18 = arith.constant 0 : index
    %get3A_19 = vector.load %arg5[%get3A_17, %get3A_18] : memref<1x100xf32, #tpu.memory_space<vmem>>, vector<1x100xf32>
    %add3A_20 = vector.broadcast %get3A_19 : vector<1x100xf32> to vector<512x100xf32>
    %add3A_21 = arith.addf %dot_general3A_16, %add3A_20 : vector<512x100xf32>
    %swap3A = arith.constant 0 : index
    %swap3A_22 = arith.constant 0 : index
    %swap3A_23 = vector.load %arg6[%swap3A, %swap3A_22] : memref<512x100xf32, #tpu.memory_space<vmem>>, vector<512x100xf32>
    tpu.vector_store %arg6[%swap3A, %swap3A_22], %add3A_21 {strides = array<i32>} : memref<512x100xf32, #tpu.memory_space<vmem>>, vector<512x100xf32>,
    return
  }
  func.func @transform_0(%arg0: i32) -> (i32, i32) {
    %c0_i32 = arith.constant 0 : i32
    %c0_i32_0 = arith.constant 0 : i32
    return %arg0, %c0_i32 : i32, i32
  }
  func.func @transform_1(%arg0: i32) -> (i32, i32) {
    %c0_i32 = arith.constant 0 : i32
    %c0_i32_0 = arith.constant 0 : i32
    %c0_i32_1 = arith.constant 0 : i32
    return %c0_i32, %c0_i32_0 : i32, i32
  }
  func.func @transform_2(%arg0: i32) -> (i32, i32) {
    %c0_i32 = arith.constant 0 : i32
    %c0_i32_0 = arith.constant 0 : i32
    %c0_i32_1 = arith.constant 0 : i32
    return %c0_i32, %c0_i32_0 : i32, i32
  }
  func.func @transform_3(%arg0: i32) -> (i32, i32) {
    %c0_i32 = arith.constant 0 : i32
    %c0_i32_0 = arith.constant 0 : i32
    %c0_i32_1 = arith.constant 0 : i32
    return %c0_i32, %c0_i32_0 : i32, i32
  }
  func.func @transform_4(%arg0: i32) -> (i32, i32) {
    %c0_i32 = arith.constant 0 : i32
    %c0_i32_0 = arith.constant 0 : i32
    %c0_i32_1 = arith.constant 0 : i32
    return %c0_i32, %c0_i32_0 : i32, i32
  }
  func.func @transform_5(%arg0: i32) -> (i32, i32) {
    %c0_i32 = arith.constant 0 : i32
    %c0_i32_0 = arith.constant 0 : i32
    return %arg0, %c0_i32 : i32, i32
  }
}

</mosaic_0001>

<sc_bundles>
// kernel: kernel.4.cloned.1.call-start
scs
__scs_entry_jumppad:
0x0: {  	(pc) =	sbr.rel $0x88, $3  }
0x1: {  	(tag) =	ssettag $0x0;
	lr =	simm.s32 $0x1  }
0x2: {  	[smem:$0x3F9B] =	sst lr;
	_ =	strace $0xD0000000  }
0x3: {  	_ = 	snop  }
0x4: {  	_ = 	snop  }
0x5: {  	_ = 	snop  }
0x6: {  	_ = 	snop  }
0x7: {  	_ = 	snop  }
__scs_overlays_trampoline_lowered:
0x8: {  	[smem:$0x3FAA] =	sst s0  }
0x9: {  	[smem:$0x3FAB] =	sst s1  }
0xa: {  	[smem:$0x3FAC] =	sst s2  }
0xb: {  	[smem:$0x3FAD] =	sst s3  }
0xc: {  	[smem:$0x3FAE] =	sst s4  }
0xd: {  	[smem:$0x3FAF] =	sst s5  }
0xe: {  	[smem:$0x3FB0] =	sst s6  }
0xf: {  	[smem:$0x3FB1] =	sst s7  }
0x10: {  	[smem:$0x3FB2] =	sst s8  }
0x11: {  	[smem:$0x3FB3] =	sst s9;
	s0 =	simm.s32 @!p0 $0x0  }
0x12: {  	s1 =	sld [smem:$0x3F99];
	s0 =	simm.s32 @p0 $0x1  }
0x13: {  	[smem:$0x3FB4] =	sst s0;
	s0 =	simm.s32 @!p1 $0x0  }
0x14: {  	s2 =	sld [smem:$0x3F98];
	s0 =	simm.s32 @p1 $0x1  }
0x15: {  	[smem:$0x3FB5] =	sst s0;
	s0 =	simm.s32 @!p2 $0x0  }
0x16: {  	s3 =	sld [smem:$0x3FDB];
	s0 =	simm.s32 @p2 $0x1  }
0x17: {  	s4 =	simm.s32 $0x1BF5;
	[smem:$0x3FB7] =	sst s0  }
0x18: {  	s0 =	sld [smem:$0x3F9A];
	_ =	swait.ge [sflag:s4], $0x0  }
0x19: {  	s7 =	sld [smem:$0x3F9B]  }
0x1a: {  	s8 =	sadd.s32 $0xFFFFE003, lr  }
0x1b: {  	s9 =	sadd.s32 $0xFFFFFEF7, lr;
	s5 =	simm.s32 $0xFFFFFFFF;
	p2 =	slt.u32 s8, $0xFFFFF086  }
0x1c: {  	p1 =	slt.u32 s9, $0xF7A;
	s5 =	simm.s32 @!p2 $0x0  }
0x1d: {  	s5 =	simm.s32 @p1 $0x1;
	p0 =	seq.s32 s7, s2  }
0x1e: {  	s7 =	smul.u32 @!p0 $0xF7A, s2;
	p2 =	seq.s32 @!p0 s5, $0x0  }
0x1f: {  	s9 =	smul.u32 $0xF7A, s1;
	s8 =	simm.s32 @!p0 $0x1BF5;
	p2 =	por !p2, p0  }
0x20: {  	[sflag:s8] =	ssyncset.s32 @!p0 $0xFFFFF086;
	s6 =	sadd.s32 @!p0 s3, s7;
	s7 =	simm.s32 @!p0 $0x108  }
0x21: {  	s3 =	sadd.s32 s3, s9;
	s6 =	sadd.s32 @!p0 $0x88, s6;
	s7 =	simm.s32 @p2 $0x1082  }
0x22: {  	[simem:s7], [sflag:s8] =	dma.local @!p0 [hbm:s6], $0xF7A  }
0x23: {  	s9 =	sor.u32 $0xD0000000, s2;
	s6 =	simm.s32 $0x108;
	_ =	swait.ge @!p0 [sflag:s8], $0x0  }
0x24: {  	s3 =	sadd.s32 $0x88, s3;
	s6 =	simm.s32 @!p1 $0x1082;
	[sflag:s4] =	ssyncset.s32 $0xFFFFF086  }
0x25: {  	[simem:s6], [sflag:s4] =	dma.local [hbm:s3], $0xF7A  }
0x26: {  	[smem:$0x3F9B] =	sst s1;
	(tag) =	ssettag s2;
	_ =	strace s9  }
0x27: {  	s1 =	sld [smem:$0x3FAB]  }
0x28: {  	s2 =	sld [smem:$0x3FAC]  }
0x29: {  	s4 =	sld [smem:$0x3FAE]  }
0x2a: {  	p0 =	seq.s32 s5, $0x0;
	s5 =	sld [smem:$0x3FAF]  }
0x2b: {  	s6 =	sld [smem:$0x3FB0]  }
0x2c: {  	s7 =	sld [smem:$0x3FB1]  }
0x2d: {  	s3 =	simm.s32 $0x108;
	s8 =	sld [smem:$0x3FB2]  }
0x2e: {  	s3 =	simm.s32 @!p0 $0x1082;
	s9 =	sld [smem:$0x3FB3]  }
0x2f: {  	lr =	sadd.s32 s0, s3;
	s0 =	sld [smem:$0x3FAA]  }
0x30: {  	s3 =	sld [smem:$0x3FAD]  }
0x31: {  	[smem:$0x3FB6] =	sst s10  }
0x32: {  	s10 =	sld [smem:$0x3FB4];
	_ =	sdelay $0x3  }
0x33: {  	p0 =	seq.s32 s10, $0x1;
	s10 =	sld [smem:$0x3FB6];
	_ =	sdelay $0x3  }
0x34: {  	[smem:$0x3FB6] =	sst s10  }
0x35: {  	s10 =	sld [smem:$0x3FB5];
	_ =	sdelay $0x3  }
0x36: {  	p1 =	seq.s32 s10, $0x1;
	s10 =	sld [smem:$0x3FB6];
	_ =	sdelay $0x3  }
0x37: {  	[smem:$0x3FB6] =	sst s10  }
0x38: {  	s10 =	sld [smem:$0x3FB7]  }
0x39: {  	_ = 	snop;
	(pc) =	sbr.ind lr, $3  }
0x3a: {  	_ = 	snop  }
0x3b: {  	_ = 	snop  }
0x3c: {  	p2 =	seq.s32 s10, $0x1;
	s10 =	sld [smem:$0x3FB6]  }
0x3d: {  	_ =	shalt  }
0x3e: {  	_ =	shalt  }
0x3f: {  	_ =	shalt  }
0x40: {  	_ =	shalt  }
0x41: {  	_ =	shalt  }
0x42: {  	_ =	shalt  }
0x43: {  	_ =	shalt  }
0x44: {  	_ =	shalt  }
0x45: {  	_ =	shalt  }
0x46: {  	_ =	shalt  }
0x47: {  	_ =	shalt  }
0x48: {  	_ =	shalt  }
0x49: {  	_ =	shalt  }
0x4a: {  	_ =	shalt  }
0x4b: {  	_ =	shalt  }
0x4c: {  	_ =	shalt  }
0x4d: {  	_ =	shalt  }
0x4e: {  	_ =	shalt  }
0x4f: {  	_ =	shalt  }
0x50: {  	_ =	shalt  }
0x51: {  	_ =	shalt  }
0x52: {  	_ =	shalt  }
0x53: {  	_ =	shalt  }
0x54: {  	_ =	shalt  }
0x55: {  	_ =	shalt  }
0x56: {  	_ =	shalt  }
0x57: {  	_ =	shalt  }
0x58: {  	_ =	shalt  }
0x59: {  	_ =	shalt  }
0x5a: {  	_ =	shalt  }
0x5b: {  	_ =	shalt  }
0x5c: {  	_ =	shalt  }
0x5d: {  	_ =	shalt  }
0x5e: {  	_ =	shalt  }
0x5f: {  	_ =	shalt  }
0x60: {  	_ =	shalt  }
0x61: {  	_ =	shalt  }
0x62: {  	_ =	shalt  }
0x63: {  	_ =	shalt  }
0x64: {  	_ =	shalt  }
0x65: {  	_ =	shalt  }
0x66: {  	_ =	shalt  }
0x67: {  	_ =	shalt  }
0x68: {  	_ =	shalt  }
0x69: {  	_ =	shalt  }
0x6a: {  	_ =	shalt  }
0x6b: {  	_ =	shalt  }
0x6c: {  	_ =	shalt  }
0x6d: {  	_ =	shalt  }
0x6e: {  	_ =	shalt  }
0x6f: {  	_ =	shalt  }
0x70: {  	_ =	shalt  }
0x71: {  	_ =	shalt  }
0x72: {  	_ =	shalt  }
0x73: {  	_ =	shalt  }
0x74: {  	_ =	shalt  }
0x75: {  	_ =	shalt  }
0x76: {  	_ =	shalt  }
0x77: {  	_ =	shalt  }
0x78: {  	_ =	shalt  }
0x79: {  	_ =	shalt  }
0x7a: {  	_ =	shalt  }
0x7b: {  	_ =	shalt  }
0x7c: {  	_ =	shalt  }
0x7d: {  	_ =	shalt  }
0x7e: {  	_ =	shalt  }
0x7f: {  	_ =	shalt  }
0x80: {  	_ =	shalt  }
0x81: {  	_ =	shalt  }
0x82: {  	_ =	shalt  }
0x83: {  	_ =	shalt  }
0x84: {  	_ =	shalt  }
0x85: {  	_ =	shalt  }
0x86: {  	_ =	shalt  }
0x87: {  	_ =	shalt  }
.Lfunc_end0:
.L_simem_size_0:
called_computation_lowered:
.L_overlay_start_0:
0x88: {  	s2 =	sld [smem:$0x3FD9]  }
0x89: {  	s3 =	sld [smem:$0x3FFE];
	_ =	sdelay $0x1  }
0x8a: {  	s1 =	srdreg.scid  }
0x8b: {  	s0 =	sand.u32 $0x1, s1  }
0x8c: {  	s17 =	sshll.u32 s0, $0xA;
	s2 =	sadd.s32 s3, s2  }
0x8d: {  	s2 =	sadd.s32 s2, s17  }
0x8e: {  	[smem:$0x3FC2] =	sst s2  }
0x8f: {  	_ = 	snop  }
0x90: {  	s2 =	sld [smem:$0x3FD0];
	(tm) =	ssettm $0x1  }
0x91: {  	s18 =	sld [smem:$0x3FFB];
	_ =	sdelay $0x3  }
0x92: {  	_ =	strace s18  }
0x93: {  	s3 =	sld [smem:$0x3FFC];
	_ =	sdelay $0x3  }
0x94: {  	_ =	strace s3  }
0x95: {  	s3 =	sld [smem:$0x3FFD];
	_ =	sdelay $0x3  }
0x96: {  	_ =	strace s3  }
0x97: {  	_ =	strace $0x8FFFFFFF  }
0x98: {  	s19 =	sld [smem:$0x3FDB];
	_ =	sdelay $0x1  }
0x99: {  	s4 =	simm.s32 $_scs_section_size  }
0x9a: {  	s5 =	simm.s32 $_size__tile_overlayer_lowered;
	s6 =	simm.s32 $_tile_overlayer_lowered  }
0x9b: {  	s22 =	simm.s32 $0x1BFF;
	s21 =	sshll.u32 s6, $0x1;
	s3 =	sadd.s32 s4, s19  }
0x9c: {  	s7 =	simm.s32 $0x0;
	s20 =	sshll.u32 s5, $0x1;
	s5 =	sadd.s32 s21, s3  }
0x9d: {  	[timem:s7], [sflag:s22] =	dma.local [hbm:s5], s20  }
0x9e: {  	_ =	swait.ge [sflag:s22], s20  }
0x9f: {  	s4 =	ssub.s32 $0x0, s20;
	[sflag:s22] =	ssyncset.done $0x0  }
0xa0: {  	[sflag:s22] =	ssyncadd.s32 s4;
	_ =	sdelay $0x1  }
0xa1: {  	s23 =	simm.s32 $0x1B8B  }
0xa2: {  	_ =	swait.ge [sflag:s23], $0x1  }
0xa3: {  	[sflag:s23] =	ssyncset.done $0x0  }
0xa4: {  	s25 =	simm.s32 $0x1B8E;
	s24 =	sld [smem:$0x3FFE];
	[sflag:s23] =	ssyncadd.s32 $0xFFFFFFFF  }
0xa5: {  	s26 =	simm.s32 $execute0_lowered;
	[smem:$0x3FD2] =	sst s25  }
0xa6: {  	s5 =	sshll.u32 s26, $0x1;
	_ =	strace $0x80000046;
	[dreg:$0x1] =	wrdreg $0xFFFFFFFF  }
0xa7: {  	s28 =	simm.s32 $_size_execute0_lowered;
	s3 =	sadd.s32 s3, s5;
	[dreg:$0x0] =	wrdreg $0x0  }
0xa8: {  	s5 =	sshll.u32 s28, $0x1;
	[dreg:$0x2] =	wrdreg s3  }
0xa9: {  	[dreg:$0x3] =	wrdreg s5  }
0xaa: {  	[dreg:$0x4] =	wrdreg $0xC0  }
0xab: {  	_ =	task [dreg:s7], $0x5FFFF  }
0xac: {  	[dreg:$0x1] =	wrdreg $0xFFFFFFFF  }
0xad: {  	[dreg:$0x0] =	wrdreg $0x60  }
0xae: {  	[dreg:$0x2] =	wrdreg s24  }
0xaf: {  	[dreg:$0x3] =	wrdreg s2  }
0xb0: {  	[dreg:$0x4] =	wrdreg $0x9  }
0xb1: {  	_ =	task.clear_ibuf [dreg:s7], $0x5FFFF;
	_ =	strace $0x90000046  }
0xb2: {  	s29 =	simm.s32 $0x9;
	_ =	strace $0x80000048  }
0xb3: {  	_ =	swait.ge [sflag:s29], $0x1  }
0xb4: {  	[sflag:s29] =	ssyncadd.s32 $0xFFFFFFFF  }
0xb5: {  	_ =	strace $0x90000048  }
0xb6: {  	_ =	sfence  }
0xb7: {  	s30 =	sld [smem:$0x0];
	_ =	sdelay $0x2  }
0xb8: {  	s31 =	sshll.u32 s1, $0xD;
	s1 =	sshrl.u32 s1, $0x2  }
0xb9: {  	s3 =	sand.u32 $0x4000, s31;
	s1 =	sadd.s32 s1, s30  }
0xba: {  	s0 =	sor.u32 s3, s0;
	s1 =	sshll.u32 s1, $0x11  }
0xbb: {  	s0 =	sor.u32 s1, s0  }
0xbc: {  	s0 =	sadd.s32 $0x8F2B, s0  }
0xbd: {  	[sflag:s0] =	ssyncadd.remote.s32 $0x1  }
0xbe: {  	_ =	sfence.sel $0xFFFF  }
0xbf: {  	[dreg:$0x0] =	wrdreg $0xFFFFFFFF;
	(pc) =	sbr.abs _section_cstart, $3  }
0xc0: {  	[dreg:$0x1] =	wrdreg $0xFFFFFFFF  }
0xc1: {  	_ =	task.clear_ibuf [dreg:s7], $0x2FFFF;
	_ =	strace $0x9FFFFFFF  }
0xc2: {  	(tm) =	ssettm $0x7FFFFFFF  }
0xc3: {  	_ =	shalt  }
tec
execute0_lowered:
.L_overlay_start_1:
0x0: {  	(tag) =	ssettag $0x1  }
0x1: {  	s0 =	srdreg.scid;
	s1 =	rddreg [dreg:$0x0]  }
0x2: {  	s2 =	stileid.u32;
	s5 =	rddreg [dreg:$0x1];
	s8 =	simm.s32 $0x60  }
0x3: {  	s9 =	simm.s32 $0x6400;
	s10 =	simm.s32 $0x68;
	s11 =	simm.s32 $0x7C00  }
0x4: {  	s13 =	simm.s32 $0x9600;
	s15 =	simm.s32 $0xAE00;
	s16 =	simm.s32 $0x190  }
0x5: {  	s17 =	simm.s32 $0xC800;
	s18 =	simm.s32 $0x1F0;
	s19 =	simm.s32 $0xE000  }
0x6: {  	s20 =	simm.s32 $0x258;
	s21 =	simm.s32 $0xFA00;
	s22 =	simm.s32 $0x2B8  }
0x7: {  	s23 =	simm.s32 $0x11200;
	s24 =	simm.s32 $0x1;
	s25 =	simm.s32 $0x2  }
0x8: {  	s26 =	simm.s32 $0x3;
	s28 =	simm.s32 $0x4;
	s29 =	simm.s32 $0x12C00  }
0x9: {  	s30 =	simm.s32 $0x0;
	s0 =	sand.u32 $0x1, s0;
	s2 =	sshll.u32 s2, $0x1  }
0xa: {  	s4 =	sor.u32 s0, s2;
	s2 =	simm.s32 $0x0;
	s0 =	ssub.s32 $0x2, s0  }
0xb: {  	s3 =	smul.u32 $0xC80, s4;
	[smem:$0x7FF] =	sst s2;
	s31 =	sshrl.u32 s0, $0x1  }
0xc: {  	s7 =	sshll.u32 s4, $0xA;
	_ =	strace $0x80000047;
	s0 =	ssub.s32 s0, s31  }
0xd: {  	s5 =	sadd.s32 s5, s7;
	s7 =	simm.s32 $0x5;
	s6 =	sadd.s32 s3, s1  }
0xe: {  	s3 =	sadd.s32 $0x187800, s1;
	s4 =	sadd.s32 $0xE00, s6;
	s6 =	smax.u32 s0, $0x1  }
.LBB2_1:
0xf: {  	[tilespmem:s2], [sflag:$0x5] =	stream.linear.gather [hbm4b:s4+s2], $0x6400, $0x38;
	[tilespmem:$0x14C00] =	vst v63  }
0x10: {  	_ =	swait.ge [sflag:s7], $0x6400  }
0x11: {  	[sflag:s7] =	ssyncset.done $0x0  }
0x12: {  	[sflag:s7] =	ssyncadd.s32 $0xFFFF9C00  }
0x13: {  	[tilespmem:s9], [sflag:$0x1] =	stream.indirect.gather [hbm4b:s3+s8], $0x40, s2, s8, $0xb8;
	[tilespmem:$0x14C00] =	vst v63  }
0x14: {  	_ = 	snop  }
0x15: {  	[tilespmem:s11], [sflag:$0x1] =	stream.indirect.gather [hbm4b:s3+s10], $0x40, s8, s10, $0xb8;
	[tilespmem:$0x14C00] =	vst v63  }
0x16: {  	s0 =	simm.s32 $0xC8  }
0x17: {  	[tilespmem:s13], [sflag:$0x2] =	stream.indirect.gather [hbm4b:s3+s8], $0x40, s0, s8, $0xb8;
	[tilespmem:$0x14C00] =	vst v63  }
0x18: {  	s14 =	simm.s32 $0x128  }
0x19: {  	[tilespmem:s15], [sflag:$0x2] =	stream.indirect.gather [hbm4b:s3+s10], $0x40, s14, s10, $0xb8;
	[tilespmem:$0x14C00] =	vst v63  }
0x1a: {  	_ = 	snop  }
0x1b: {  	[tilespmem:s17], [sflag:$0x3] =	stream.indirect.gather [hbm4b:s3+s8], $0x40, s16, s8, $0xb8;
	[tilespmem:$0x14C00] =	vst v63  }
0x1c: {  	_ = 	snop  }
0x1d: {  	[tilespmem:s19], [sflag:$0x3] =	stream.indirect.gather [hbm4b:s3+s10], $0x40, s18, s10, $0xb8;
	[tilespmem:$0x14C00] =	vst v63  }
0x1e: {  	_ = 	snop  }
0x1f: {  	[tilespmem:s21], [sflag:$0x4] =	stream.indirect.gather [hbm4b:s3+s8], $0x40, s20, s8, $0xb8;
	[tilespmem:$0x14C00] =	vst v63  }
0x20: {  	s31 =	simm.s32 $0x0  }
0x21: {  	[tilespmem:s23], [sflag:$0x4] =	stream.indirect.gather [hbm4b:s3+s10], $0x40, s22, s10, $0xb8;
	[tilespmem:$0x14C00] =	vst v63  }
.LBB2_2:
0x22: {  	_ =	swait.ge [sflag:s24], $0x1800  }
0x23: {  	[sflag:s24] =	ssyncset.done $0x0  }
0x24: {  	[sflag:s24] =	ssyncadd.s32 $0xFFFFE800  }
0x25: {  	_ =	swait.ge [sflag:s24], $0x1A00  }
0x26: {  	[sflag:s24] =	ssyncset.done $0x0  }
0x27: {  	s1 =	simm.s32 $0x6500;
	[sflag:s24] =	ssyncadd.s32 $0xFFFFE600  }
0x28: {  	v0 =	vld [tilespmem:s1+$0xC0]  }
0x29: {  	v1 =	vld [tilespmem:s1+$0xD0]  }
0x2a: {  	v2 =	vld [tilespmem:s1+$0x80]  }
0x2b: {  	v3 =	vld [tilespmem:s1+$0x90]  }
0x2c: {  	v9 =	vld [tilespmem:s1+$0x40]  }
0x2d: {  	v12 =	vld [tilespmem:s1+$0x50]  }
0x2e: {  	v7 =	vld [tilespmem:s1+$0x0]  }
0x2f: {  	v8 =	vld [tilespmem:s1+$0x10]  }
0x30: {  	v5 =	vld [tilespmem:s1+$0xFFFFFFC0]  }
0x31: {  	v6 =	vld [tilespmem:s1+$0xFFFFFFD0]  }
0x32: {  	v4 =	vld [tilespmem:s1+$0xFFFFFF80]  }
0x33: {  	v10 =	vld [tilespmem:s1+$0xFFFFFF90]  }
0x34: {  	v11 =	vld [tilespmem:s1+$0xFFFFFF40]  }
0x35: {  	v13 =	vld [tilespmem:s1+$0xFFFFFF50]  }
0x36: {  	v14 =	vld [tilespmem:s1+$0xFFFFFF00]  }
0x37: {  	v15 =	vld [tilespmem:s1+$0xFFFFFF10]  }
0x38: {  	v16 =	vld [tilespmem:s1+$0xFFFFFF20]  }
0x39: {  	v17 =	vld [tilespmem:s1+$0xFFFFFF30]  }
0x3a: {  	v18 =	vld [tilespmem:s1+$0xFFFFFF60]  }
0x3b: {  	v19 =	vld [tilespmem:s1+$0xFFFFFF70]  }
0x3c: {  	v20 =	vimm.f32 $0.0e+00;
	v21 =	vld [tilespmem:s1+$0xFFFFFFA0]  }
0x3d: {  	v22 =	vld [tilespmem:s1+$0xFFFFFFB0];
	v14 =	vadd.f32 v14, v20;
	v15 =	vadd.f32 v15, v20  }
0x3e: {  	v59 =	vld [tilespmem:s1+$0xFFFFFFE0];
	v16 =	vadd.f32 v16, v20;
	v17 =	vadd.f32 v17, v20  }
0x3f: {  	v11 =	vadd.f32 v11, v14;
	v13 =	vadd.f32 v13, v15;
	v14 =	vld [tilespmem:s1+$0xFFFFFFF0]  }
0x40: {  	v61 =	vld [tilespmem:s1+$0x20];
	v15 =	vadd.f32 v18, v16;
	v60 =	vadd.f32 v19, v17  }
0x41: {  	v11 =	vadd.f32 v4, v11;
	v10 =	vadd.f32 v10, v13;
	v13 =	vld [tilespmem:s1+$0x30]  }
0x42: {  	v15 =	vadd.f32 v21, v15;
	v16 =	vadd.f32 v22, v60;
	v4 =	vld [tilespmem:s1+$0x60]  }
0x43: {  	v11 =	vadd.f32 v5, v11;
	v10 =	vadd.f32 v6, v10;
	v6 =	vld [tilespmem:s1+$0x70]  }
0x44: {  	v15 =	vadd.f32 v59, v15;
	v5 =	vld [tilespmem:s1+$0xA0];
	v14 =	vadd.f32 v14, v16  }
0x45: {  	v62 =	vadd.f32 v7, v11;
	v63 =	vadd.f32 v8, v10;
	v8 =	vld [tilespmem:s1+$0xB0]  }
0x46: {  	v11 =	vadd.f32 v61, v15;
	v7 =	vld [tilespmem:s1+$0xE0];
	v10 =	vadd.f32 v13, v14  }
0x47: {  	s0 =	simm.s32 $0x0;
	v13 =	vadd.f32 v9, v62;
	v12 =	vadd.f32 v12, v63;
	v9 =	vld [tilespmem:s1+$0xF0];
	s1 =	simm.s32 $0x6700  }
.LBB2_3:
0x48: {  	v14 =	vld [tilespmem:s1+$0xC0];
	v4 =	vadd.f32 v4, v11;
	v6 =	vadd.f32 v6, v10  }
0x49: {  	v10 =	vld [tilespmem:s1+$0xD0];
	v11 =	vadd.f32 v2, v13;
	v12 =	vadd.f32 v3, v12  }
0x4a: {  	v2 =	vld [tilespmem:s1+$0x80];
	v4 =	vadd.f32 v5, v4;
	v5 =	vadd.f32 v8, v6  }
0x4b: {  	v3 =	vld [tilespmem:s1+$0x90];
	v6 =	vadd.f32 v0, v11;
	v8 =	vadd.f32 v1, v12  }
0x4c: {  	v12 =	vld [tilespmem:s1+$0x40];
	v4 =	vadd.f32 v7, v4;
	v5 =	vadd.f32 v9, v5  }
0x4d: {  	v9 =	vld [tilespmem:s1+$0x50];
	v0 =	vmov v14  }
0x4e: {  	v7 =	vld [tilespmem:s1+$0x0];
	v1 =	vmov v10  }
0x4f: {  	v10 =	vld [tilespmem:s1+$0x10]  }
0x50: {  	v11 =	vld [tilespmem:s1+$0xFFFFFFC0]  }
0x51: {  	v13 =	vld [tilespmem:s1+$0xFFFFFFD0]  }
0x52: {  	v14 =	vld [tilespmem:s1+$0xFFFFFF80]  }
0x53: {  	v15 =	vld [tilespmem:s1+$0xFFFFFF90]  }
0x54: {  	v16 =	vld [tilespmem:s1+$0xFFFFFF40]  }
0x55: {  	v17 =	vld [tilespmem:s1+$0xFFFFFF50]  }
0x56: {  	v18 =	vld [tilespmem:s1+$0xFFFFFF00]  }
0x57: {  	v19 =	vld [tilespmem:s1+$0xFFFFFF10]  }
0x58: {  	v20 =	vld [tilespmem:s1+$0xFFFFFF20]  }
0x59: {  	s0 =	sadd.s32 $0x8, s0;
	v21 =	vld [tilespmem:s1+$0xFFFFFF30]  }
0x5a: {  	p0 =	slt.u32 s0, $0xC0;
	v22 =	vld [tilespmem:s1+$0xFFFFFF60]  }
0x5b: {  	v23 =	vld [tilespmem:s1+$0xFFFFFF70]  }
0x5c: {  	v24 =	vld [tilespmem:s1+$0xFFFFFFA0]  }
0x5d: {  	v6 =	vadd.f32 v18, v6;
	v8 =	vadd.f32 v19, v8;
	v18 =	vld [tilespmem:s1+$0xFFFFFFB0]  }
0x5e: {  	v4 =	vadd.f32 v20, v4;
	v5 =	vadd.f32 v21, v5;
	v19 =	vld [tilespmem:s1+$0xFFFFFFE0]  }
0x5f: {  	v6 =	vadd.f32 v16, v6;
	v8 =	vadd.f32 v17, v8;
	v16 =	vld [tilespmem:s1+$0xFFFFFFF0]  }
0x60: {  	v4 =	vadd.f32 v22, v4;
	v5 =	vadd.f32 v23, v5;
	v17 =	vld [tilespmem:s1+$0x20]  }
0x61: {  	v6 =	vadd.f32 v14, v6;
	v8 =	vadd.f32 v15, v8;
	v14 =	vld [tilespmem:s1+$0x30]  }
0x62: {  	v15 =	vadd.f32 v24, v4;
	v5 =	vadd.f32 v18, v5;
	v4 =	vld [tilespmem:s1+$0x60]  }
.Ltmp0:
0x63: {  	v11 =	vadd.f32 v11, v6;
	v8 =	vadd.f32 v13, v8;
	v6 =	vld [tilespmem:s1+$0x70];
	(pc) =	sbr.rel @p0 .LBB2_3-.Ltmp0, $4  }
0x64: {  	v13 =	vadd.f32 v19, v15;
	v15 =	vadd.f32 v16, v5;
	v5 =	vld [tilespmem:s1+$0xA0]  }
0x65: {  	v16 =	vadd.f32 v7, v11;
	v18 =	vadd.f32 v10, v8;
	v8 =	vld [tilespmem:s1+$0xB0]  }
0x66: {  	v11 =	vadd.f32 v17, v13;
	v10 =	vadd.f32 v14, v15;
	v7 =	vld [tilespmem:s1+$0xE0]  }
0x67: {  	v13 =	vadd.f32 v12, v16;
	v12 =	vadd.f32 v9, v18;
	v9 =	vld [tilespmem:s1+$0xF0];
	s1 =	sadd.s32 $0x200, s1  }
0x68: {  	_ = 	snop  }
0x69: {  	v4 =	vadd.f32 v4, v11;
	v2 =	vadd.f32 v2, v13  }
0x6a: {  	v6 =	vadd.f32 v6, v10;
	v3 =	vadd.f32 v3, v12  }
0x6b: {  	v4 =	vadd.f32 v5, v4;
	v0 =	vadd.f32 v0, v2  }
0x6c: {  	v2 =	vadd.f32 v8, v6;
	v1 =	vadd.f32 v1, v3  }
0x6d: {  	s0 =	sshll.u32 s31, $0x2;
	s1 =	sshll.u32 s31, $0x8;
	v3 =	vadd.f32 v7, v4;
	v0 =	vmul.f32 $4.999999890e-03, v0  }
0x6e: {  	s1 =	sand.u32 $0x3FFFFF00, s1;
	s12 =	sadd.s32 $0x4, s0;
	v2 =	vadd.f32 v9, v2;
	v1 =	vmul.f32 $4.999999890e-03, v1  }
0x6f: {  	s12 =	sand.u32 $0x7C, s12;
	[tilespmem:s1+$0x12C00] =	vst v0;
	v0 =	vmul.f32 $4.999999890e-03, v3  }
0x70: {  	s12 =	smul.u32 $0x320, s12;
	[tilespmem:s1+$0x12C10] =	vst v1;
	v1 =	vmul.f32 $4.999999890e-03, v2  }
0x71: {  	[tilespmem:s1+$0x12C20] =	vst v0  }
0x72: {  	s12 =	sshrl.u32 s12, $0x2;
	[tilespmem:s1+$0x12C30] =	vst v1  }
0x73: {  	[tilespmem:s9], [sflag:$0x1] =	stream.indirect.gather [hbm4b:s3+s8], $0x40, s12, s8, $0xb8;
	[tilespmem:$0x14C00] =	vst v63  }
0x74: {  	s12 =	sadd.s32 $0x60, s12  }
0x75: {  	[tilespmem:s11], [sflag:$0x1] =	stream.indirect.gather [hbm4b:s3+s10], $0x40, s12, s10, $0xb8;
	[tilespmem:$0x14C00] =	vst v63  }
0x76: {  	_ =	swait.ge [sflag:s25], $0x1800  }
0x77: {  	[sflag:s25] =	ssyncset.done $0x0  }
0x78: {  	[sflag:s25] =	ssyncadd.s32 $0xFFFFE800  }
0x79: {  	_ =	swait.ge [sflag:s25], $0x1A00  }
0x7a: {  	[sflag:s25] =	ssyncset.done $0x0  }
0x7b: {  	s14 =	simm.s32 $0x97F0;
	[sflag:s25] =	ssyncadd.s32 $0xFFFFE600  }
0x7c: {  	v0 =	vld [tilespmem:s14+$0xFFFFFFD0]  }
0x7d: {  	v1 =	vld [tilespmem:s14+$0xFFFFFFE0]  }
0x7e: {  	v2 =	vld [tilespmem:s14+$0xFFFFFF90]  }
0x7f: {  	v3 =	vld [tilespmem:s14+$0xFFFFFFA0]  }
0x80: {  	v9 =	vld [tilespmem:s14+$0xFFFFFF50]  }
0x81: {  	v12 =	vld [tilespmem:s14+$0xFFFFFF60]  }
0x82: {  	v7 =	vld [tilespmem:s14+$0xFFFFFF10]  }
0x83: {  	v8 =	vld [tilespmem:s14+$0xFFFFFF20]  }
0x84: {  	v5 =	vld [tilespmem:s14+$0xFFFFFED0]  }
0x85: {  	v6 =	vld [tilespmem:s14+$0xFFFFFEE0]  }
0x86: {  	v4 =	vld [tilespmem:s14+$0xFFFFFE90]  }
0x87: {  	v10 =	vld [tilespmem:s14+$0xFFFFFEA0]  }
0x88: {  	v11 =	vld [tilespmem:s14+$0xFFFFFE50]  }
0x89: {  	v13 =	vld [tilespmem:s14+$0xFFFFFE60]  }
0x8a: {  	v14 =	vld [tilespmem:s14+$0xFFFFFE10]  }
0x8b: {  	v15 =	vld [tilespmem:s14+$0xFFFFFE20]  }
0x8c: {  	v16 =	vld [tilespmem:s14+$0xFFFFFE30]  }
0x8d: {  	v17 =	vld [tilespmem:s14+$0xFFFFFE40]  }
0x8e: {  	v18 =	vld [tilespmem:s14+$0xFFFFFE70]  }
0x8f: {  	v19 =	vld [tilespmem:s14+$0xFFFFFE80]  }
0x90: {  	v20 =	vimm.f32 $0.0e+00;
	v21 =	vld [tilespmem:s14+$0xFFFFFEB0]  }
0x91: {  	v22 =	vld [tilespmem:s14+$0xFFFFFEC0];
	v14 =	vadd.f32 v14, v20;
	v15 =	vadd.f32 v15, v20  }
0x92: {  	v59 =	vld [tilespmem:s14+$0xFFFFFEF0];
	v16 =	vadd.f32 v16, v20;
	v17 =	vadd.f32 v17, v20  }
0x93: {  	v11 =	vadd.f32 v11, v14;
	v13 =	vadd.f32 v13, v15;
	v14 =	vld [tilespmem:s14+$0xFFFFFF00]  }
0x94: {  	v61 =	vld [tilespmem:s14+$0xFFFFFF30];
	v15 =	vadd.f32 v18, v16;
	v60 =	vadd.f32 v19, v17  }
0x95: {  	v11 =	vadd.f32 v4, v11;
	v10 =	vadd.f32 v10, v13;
	v13 =	vld [tilespmem:s14+$0xFFFFFF40]  }
0x96: {  	v15 =	vadd.f32 v21, v15;
	v16 =	vadd.f32 v22, v60;
	v4 =	vld [tilespmem:s14+$0xFFFFFF70]  }
0x97: {  	v11 =	vadd.f32 v5, v11;
	v10 =	vadd.f32 v6, v10;
	v6 =	vld [tilespmem:s14+$0xFFFFFF80]  }
0x98: {  	v15 =	vadd.f32 v59, v15;
	v5 =	vld [tilespmem:s14+$0xFFFFFFB0];
	v14 =	vadd.f32 v14, v16  }
0x99: {  	v62 =	vadd.f32 v7, v11;
	v63 =	vadd.f32 v8, v10;
	v8 =	vld [tilespmem:s14+$0xFFFFFFC0]  }
0x9a: {  	v11 =	vadd.f32 v61, v15;
	v7 =	vld [tilespmem:s14+$0xFFFFFFF0];
	v10 =	vadd.f32 v13, v14  }
0x9b: {  	s12 =	simm.s32 $0x0;
	v13 =	vadd.f32 v9, v62;
	v12 =	vadd.f32 v12, v63;
	v9 =	vld [tilespmem:s14+$0x0];
	s14 =	simm.s32 $0x99F0  }
.LBB2_5:
0x9c: {  	v14 =	vld [tilespmem:s14+$0xFFFFFFD0];
	v4 =	vadd.f32 v4, v11;
	v6 =	vadd.f32 v6, v10  }
0x9d: {  	v10 =	vld [tilespmem:s14+$0xFFFFFFE0];
	v11 =	vadd.f32 v2, v13;
	v12 =	vadd.f32 v3, v12  }
0x9e: {  	v2 =	vld [tilespmem:s14+$0xFFFFFF90];
	v4 =	vadd.f32 v5, v4;
	v5 =	vadd.f32 v8, v6  }
0x9f: {  	v3 =	vld [tilespmem:s14+$0xFFFFFFA0];
	v6 =	vadd.f32 v0, v11;
	v8 =	vadd.f32 v1, v12  }
0xa0: {  	v12 =	vld [tilespmem:s14+$0xFFFFFF50];
	v4 =	vadd.f32 v7, v4;
	v5 =	vadd.f32 v9, v5  }
0xa1: {  	v9 =	vld [tilespmem:s14+$0xFFFFFF60];
	v0 =	vmov v14  }
0xa2: {  	v7 =	vld [tilespmem:s14+$0xFFFFFF10];
	v1 =	vmov v10  }
0xa3: {  	v10 =	vld [tilespmem:s14+$0xFFFFFF20]  }
0xa4: {  	v11 =	vld [tilespmem:s14+$0xFFFFFED0]  }
0xa5: {  	v13 =	vld [tilespmem:s14+$0xFFFFFEE0]  }
0xa6: {  	v14 =	vld [tilespmem:s14+$0xFFFFFE90]  }
0xa7: {  	v15 =	vld [tilespmem:s14+$0xFFFFFEA0]  }
0xa8: {  	v16 =	vld [tilespmem:s14+$0xFFFFFE50]  }
0xa9: {  	v17 =	vld [tilespmem:s14+$0xFFFFFE60]  }
0xaa: {  	v18 =	vld [tilespmem:s14+$0xFFFFFE10]  }
0xab: {  	v19 =	vld [tilespmem:s14+$0xFFFFFE20]  }
0xac: {  	v20 =	vld [tilespmem:s14+$0xFFFFFE30]  }
0xad: {  	s12 =	sadd.s32 $0x8, s12;
	v21 =	vld [tilespmem:s14+$0xFFFFFE40]  }
0xae: {  	p0 =	slt.u32 s12, $0xC0;
	v22 =	vld [tilespmem:s14+$0xFFFFFE70]  }
0xaf: {  	v23 =	vld [tilespmem:s14+$0xFFFFFE80]  }
0xb0: {  	v24 =	vld [tilespmem:s14+$0xFFFFFEB0]  }
0xb1: {  	v6 =	vadd.f32 v18, v6;
	v8 =	vadd.f32 v19, v8;
	v18 =	vld [tilespmem:s14+$0xFFFFFEC0]  }
0xb2: {  	v4 =	vadd.f32 v20, v4;
	v5 =	vadd.f32 v21, v5;
	v19 =	vld [tilespmem:s14+$0xFFFFFEF0]  }
0xb3: {  	v6 =	vadd.f32 v16, v6;
	v8 =	vadd.f32 v17, v8;
	v16 =	vld [tilespmem:s14+$0xFFFFFF00]  }
0xb4: {  	v4 =	vadd.f32 v22, v4;
	v5 =	vadd.f32 v23, v5;
	v17 =	vld [tilespmem:s14+$0xFFFFFF30]  }
0xb5: {  	v6 =	vadd.f32 v14, v6;
	v8 =	vadd.f32 v15, v8;
	v14 =	vld [tilespmem:s14+$0xFFFFFF40]  }
0xb6: {  	v15 =	vadd.f32 v24, v4;
	v5 =	vadd.f32 v18, v5;
	v4 =	vld [tilespmem:s14+$0xFFFFFF70]  }
.Ltmp1:
0xb7: {  	v11 =	vadd.f32 v11, v6;
	v8 =	vadd.f32 v13, v8;
	v6 =	vld [tilespmem:s14+$0xFFFFFF80];
	(pc) =	sbr.rel @p0 .LBB2_5-.Ltmp1, $4  }
0xb8: {  	v13 =	vadd.f32 v19, v15;
	v15 =	vadd.f32 v16, v5;
	v5 =	vld [tilespmem:s14+$0xFFFFFFB0]  }
0xb9: {  	v16 =	vadd.f32 v7, v11;
	v18 =	vadd.f32 v10, v8;
	v8 =	vld [tilespmem:s14+$0xFFFFFFC0]  }
0xba: {  	v11 =	vadd.f32 v17, v13;
	v10 =	vadd.f32 v14, v15;
	v7 =	vld [tilespmem:s14+$0xFFFFFFF0]  }
0xbb: {  	v13 =	vadd.f32 v12, v16;
	v12 =	vadd.f32 v9, v18;
	v9 =	vld [tilespmem:s14+$0x0];
	s14 =	sadd.s32 $0x200, s14  }
0xbc: {  	_ = 	snop  }
0xbd: {  	v4 =	vadd.f32 v4, v11;
	v2 =	vadd.f32 v2, v13  }
0xbe: {  	v6 =	vadd.f32 v6, v10;
	v3 =	vadd.f32 v3, v12  }
0xbf: {  	v4 =	vadd.f32 v5, v4;
	v0 =	vadd.f32 v0, v2  }
0xc0: {  	v2 =	vadd.f32 v8, v6;
	v1 =	vadd.f32 v1, v3  }
0xc1: {  	v3 =	vadd.f32 v7, v4;
	v0 =	vmul.f32 $4.999999890e-03, v0  }
0xc2: {  	s12 =	sadd.s32 $0x5, s0;
	v2 =	vadd.f32 v9, v2;
	v1 =	vmul.f32 $4.999999890e-03, v1  }
0xc3: {  	s12 =	sand.u32 $0x7D, s12;
	[tilespmem:s1+$0x12C40] =	vst v0;
	v0 =	vmul.f32 $4.999999890e-03, v3  }
0xc4: {  	s12 =	smul.u32 $0x320, s12;
	[tilespmem:s1+$0x12C50] =	vst v1;
	v1 =	vmul.f32 $4.999999890e-03, v2  }
0xc5: {  	[tilespmem:s1+$0x12C60] =	vst v0  }
0xc6: {  	s12 =	sshrl.u32 s12, $0x2;
	[tilespmem:s1+$0x12C70] =	vst v1  }
0xc7: {  	[tilespmem:s13], [sflag:$0x2] =	stream.indirect.gather [hbm4b:s3+s8], $0x40, s12, s8, $0xb8;
	[tilespmem:$0x14C00] =	vst v63  }
0xc8: {  	s12 =	sadd.s32 $0x60, s12  }
0xc9: {  	[tilespmem:s15], [sflag:$0x2] =	stream.indirect.gather [hbm4b:s3+s10], $0x40, s12, s10, $0xb8;
	[tilespmem:$0x14C00] =	vst v63  }
0xca: {  	_ =	swait.ge [sflag:s26], $0x1800  }
0xcb: {  	[sflag:s26] =	ssyncset.done $0x0  }
0xcc: {  	[sflag:s26] =	ssyncadd.s32 $0xFFFFE800  }
0xcd: {  	_ =	swait.ge [sflag:s26], $0x1A00  }
0xce: {  	[sflag:s26] =	ssyncset.done $0x0  }
0xcf: {  	s14 =	simm.s32 $0xC800;
	[sflag:s26] =	ssyncadd.s32 $0xFFFFE600  }
0xd0: {  	v0 =	vld [tilespmem:s14+$0x1C0]  }
0xd1: {  	v1 =	vld [tilespmem:s14+$0x1D0]  }
0xd2: {  	v2 =	vld [tilespmem:s14+$0x180]  }
0xd3: {  	v3 =	vld [tilespmem:s14+$0x190]  }
0xd4: {  	v9 =	vld [tilespmem:s14+$0x140]  }
0xd5: {  	v12 =	vld [tilespmem:s14+$0x150]  }
0xd6: {  	v7 =	vld [tilespmem:s14+$0x100]  }
0xd7: {  	v8 =	vld [tilespmem:s14+$0x110]  }
0xd8: {  	v5 =	vld [tilespmem:s14+$0xC0]  }
0xd9: {  	v6 =	vld [tilespmem:s14+$0xD0]  }
0xda: {  	v4 =	vld [tilespmem:s14+$0x80]  }
0xdb: {  	v10 =	vld [tilespmem:s14+$0x90]  }
0xdc: {  	v11 =	vld [tilespmem:s14+$0x40]  }
0xdd: {  	v13 =	vld [tilespmem:s14+$0x50]  }
0xde: {  	v14 =	vld [tilespmem:s14+$0x0]  }
0xdf: {  	v15 =	vld [tilespmem:s14+$0x10]  }
0xe0: {  	v16 =	vld [tilespmem:s14+$0x20]  }
0xe1: {  	v17 =	vld [tilespmem:s14+$0x30]  }
0xe2: {  	v18 =	vld [tilespmem:s14+$0x60]  }
0xe3: {  	v19 =	vld [tilespmem:s14+$0x70]  }
0xe4: {  	v20 =	vimm.f32 $0.0e+00;
	v21 =	vld [tilespmem:s14+$0xA0]  }
0xe5: {  	v22 =	vld [tilespmem:s14+$0xB0];
	v14 =	vadd.f32 v14, v20;
	v15 =	vadd.f32 v15, v20  }
0xe6: {  	v59 =	vld [tilespmem:s14+$0xE0];
	v16 =	vadd.f32 v16, v20;
	v17 =	vadd.f32 v17, v20  }
0xe7: {  	v11 =	vadd.f32 v11, v14;
	v13 =	vadd.f32 v13, v15;
	v14 =	vld [tilespmem:s14+$0xF0]  }
0xe8: {  	v61 =	vld [tilespmem:s14+$0x120];
	v15 =	vadd.f32 v18, v16;
	v60 =	vadd.f32 v19, v17  }
0xe9: {  	v11 =	vadd.f32 v4, v11;
	v10 =	vadd.f32 v10, v13;
	v13 =	vld [tilespmem:s14+$0x130]  }
0xea: {  	v15 =	vadd.f32 v21, v15;
	v16 =	vadd.f32 v22, v60;
	v4 =	vld [tilespmem:s14+$0x160]  }
0xeb: {  	v11 =	vadd.f32 v5, v11;
	v10 =	vadd.f32 v6, v10;
	v6 =	vld [tilespmem:s14+$0x170]  }
0xec: {  	v15 =	vadd.f32 v59, v15;
	v5 =	vld [tilespmem:s14+$0x1A0];
	v14 =	vadd.f32 v14, v16  }
0xed: {  	v62 =	vadd.f32 v7, v11;
	v63 =	vadd.f32 v8, v10;
	v8 =	vld [tilespmem:s14+$0x1B0]  }
0xee: {  	v11 =	vadd.f32 v61, v15;
	v7 =	vld [tilespmem:s14+$0x1E0];
	v10 =	vadd.f32 v13, v14  }
0xef: {  	s12 =	simm.s32 $0x0;
	v13 =	vadd.f32 v9, v62;
	v12 =	vadd.f32 v12, v63;
	v9 =	vld [tilespmem:s14+$0x1F0];
	s14 =	simm.s32 $0xCA00  }
.LBB2_7:
0xf0: {  	v14 =	vld [tilespmem:s14+$0x1C0];
	v4 =	vadd.f32 v4, v11;
	v6 =	vadd.f32 v6, v10  }
0xf1: {  	v10 =	vld [tilespmem:s14+$0x1D0];
	v11 =	vadd.f32 v2, v13;
	v12 =	vadd.f32 v3, v12  }
0xf2: {  	v2 =	vld [tilespmem:s14+$0x180];
	v4 =	vadd.f32 v5, v4;
	v5 =	vadd.f32 v8, v6  }
0xf3: {  	v3 =	vld [tilespmem:s14+$0x190];
	v6 =	vadd.f32 v0, v11;
	v8 =	vadd.f32 v1, v12  }
0xf4: {  	v12 =	vld [tilespmem:s14+$0x140];
	v4 =	vadd.f32 v7, v4;
	v5 =	vadd.f32 v9, v5  }
0xf5: {  	v9 =	vld [tilespmem:s14+$0x150];
	v0 =	vmov v14  }
0xf6: {  	v7 =	vld [tilespmem:s14+$0x100];
	v1 =	vmov v10  }
0xf7: {  	v10 =	vld [tilespmem:s14+$0x110]  }
0xf8: {  	v11 =	vld [tilespmem:s14+$0xC0]  }
0xf9: {  	v13 =	vld [tilespmem:s14+$0xD0]  }
0xfa: {  	v14 =	vld [tilespmem:s14+$0x80]  }
0xfb: {  	v15 =	vld [tilespmem:s14+$0x90]  }
0xfc: {  	v16 =	vld [tilespmem:s14+$0x40]  }
0xfd: {  	v17 =	vld [tilespmem:s14+$0x50]  }
0xfe: {  	v18 =	vld [tilespmem:s14+$0x0]  }
0xff: {  	v19 =	vld [tilespmem:s14+$0x10]  }
0x100: {  	v20 =	vld [tilespmem:s14+$0x20]  }
0x101: {  	s12 =	sadd.s32 $0x8, s12;
	v21 =	vld [tilespmem:s14+$0x30]  }
0x102: {  	p0 =	slt.u32 s12, $0xC0;
	v22 =	vld [tilespmem:s14+$0x60]  }
0x103: {  	v23 =	vld [tilespmem:s14+$0x70]  }
0x104: {  	v24 =	vld [tilespmem:s14+$0xA0]  }
0x105: {  	v6 =	vadd.f32 v18, v6;
	v8 =	vadd.f32 v19, v8;
	v18 =	vld [tilespmem:s14+$0xB0]  }
0x106: {  	v4 =	vadd.f32 v20, v4;
	v5 =	vadd.f32 v21, v5;
	v19 =	vld [tilespmem:s14+$0xE0]  }
0x107: {  	v6 =	vadd.f32 v16, v6;
	v8 =	vadd.f32 v17, v8;
	v16 =	vld [tilespmem:s14+$0xF0]  }
0x108: {  	v4 =	vadd.f32 v22, v4;
	v5 =	vadd.f32 v23, v5;
	v17 =	vld [tilespmem:s14+$0x120]  }
0x109: {  	v6 =	vadd.f32 v14, v6;
	v8 =	vadd.f32 v15, v8;
	v14 =	vld [tilespmem:s14+$0x130]  }
0x10a: {  	v15 =	vadd.f32 v24, v4;
	v5 =	vadd.f32 v18, v5;
	v4 =	vld [tilespmem:s14+$0x160]  }
.Ltmp2:
0x10b: {  	v11 =	vadd.f32 v11, v6;
	v8 =	vadd.f32 v13, v8;
	v6 =	vld [tilespmem:s14+$0x170];
	(pc) =	sbr.rel @p0 .LBB2_7-.Ltmp2, $4  }
0x10c: {  	v13 =	vadd.f32 v19, v15;
	v15 =	vadd.f32 v16, v5;
	v5 =	vld [tilespmem:s14+$0x1A0]  }
0x10d: {  	v16 =	vadd.f32 v7, v11;
	v18 =	vadd.f32 v10, v8;
	v8 =	vld [tilespmem:s14+$0x1B0]  }
0x10e: {  	v11 =	vadd.f32 v17, v13;
	v10 =	vadd.f32 v14, v15;
	v7 =	vld [tilespmem:s14+$0x1E0]  }
0x10f: {  	v13 =	vadd.f32 v12, v16;
	v12 =	vadd.f32 v9, v18;
	v9 =	vld [tilespmem:s14+$0x1F0];
	s14 =	sadd.s32 $0x200, s14  }
0x110: {  	_ = 	snop  }
0x111: {  	v4 =	vadd.f32 v4, v11;
	v2 =	vadd.f32 v2, v13  }
0x112: {  	v6 =	vadd.f32 v6, v10;
	v3 =	vadd.f32 v3, v12  }
0x113: {  	v4 =	vadd.f32 v5, v4;
	v0 =	vadd.f32 v0, v2  }
0x114: {  	v2 =	vadd.f32 v8, v6;
	v1 =	vadd.f32 v1, v3  }
0x115: {  	v3 =	vadd.f32 v7, v4;
	v0 =	vmul.f32 $4.999999890e-03, v0  }
0x116: {  	s12 =	sadd.s32 $0x6, s0;
	v2 =	vadd.f32 v9, v2;
	v1 =	vmul.f32 $4.999999890e-03, v1  }
0x117: {  	s12 =	sand.u32 $0x7E, s12;
	[tilespmem:s1+$0x12C80] =	vst v0;
	v0 =	vmul.f32 $4.999999890e-03, v3  }
0x118: {  	s12 =	smul.u32 $0x320, s12;
	[tilespmem:s1+$0x12C90] =	vst v1;
	v1 =	vmul.f32 $4.999999890e-03, v2  }
0x119: {  	[tilespmem:s1+$0x12CA0] =	vst v0  }
0x11a: {  	s12 =	sshrl.u32 s12, $0x2;
	[tilespmem:s1+$0x12CB0] =	vst v1  }
0x11b: {  	[tilespmem:s17], [sflag:$0x3] =	stream.indirect.gather [hbm4b:s3+s8], $0x40, s12, s8, $0xb8;
	[tilespmem:$0x14C00] =	vst v63  }
0x11c: {  	s12 =	sadd.s32 $0x60, s12  }
0x11d: {  	[tilespmem:s19], [sflag:$0x3] =	stream.indirect.gather [hbm4b:s3+s10], $0x40, s12, s10, $0xb8;
	[tilespmem:$0x14C00] =	vst v63  }
0x11e: {  	_ =	swait.ge [sflag:s28], $0x1800  }
0x11f: {  	[sflag:s28] =	ssyncset.done $0x0  }
0x120: {  	[sflag:s28] =	ssyncadd.s32 $0xFFFFE800  }
0x121: {  	_ =	swait.ge [sflag:s28], $0x1A00  }
0x122: {  	[sflag:s28] =	ssyncset.done $0x0  }
0x123: {  	s14 =	simm.s32 $0xFA00;
	[sflag:s28] =	ssyncadd.s32 $0xFFFFE600  }
0x124: {  	v0 =	vld [tilespmem:s14+$0x1C0]  }
0x125: {  	v1 =	vld [tilespmem:s14+$0x1D0]  }
0x126: {  	v2 =	vld [tilespmem:s14+$0x180]  }
0x127: {  	v3 =	vld [tilespmem:s14+$0x190]  }
0x128: {  	v9 =	vld [tilespmem:s14+$0x140]  }
0x129: {  	v12 =	vld [tilespmem:s14+$0x150]  }
0x12a: {  	v7 =	vld [tilespmem:s14+$0x100]  }
0x12b: {  	v8 =	vld [tilespmem:s14+$0x110]  }
0x12c: {  	v5 =	vld [tilespmem:s14+$0xC0]  }
0x12d: {  	v6 =	vld [tilespmem:s14+$0xD0]  }
0x12e: {  	v4 =	vld [tilespmem:s14+$0x80]  }
0x12f: {  	v10 =	vld [tilespmem:s14+$0x90]  }
0x130: {  	v11 =	vld [tilespmem:s14+$0x40]  }
0x131: {  	v13 =	vld [tilespmem:s14+$0x50]  }
0x132: {  	v14 =	vld [tilespmem:s14+$0x0]  }
0x133: {  	v15 =	vld [tilespmem:s14+$0x10]  }
0x134: {  	v16 =	vld [tilespmem:s14+$0x20]  }
0x135: {  	v17 =	vld [tilespmem:s14+$0x30]  }
0x136: {  	v18 =	vld [tilespmem:s14+$0x60]  }
0x137: {  	v19 =	vld [tilespmem:s14+$0x70]  }
0x138: {  	v20 =	vimm.f32 $0.0e+00;
	v21 =	vld [tilespmem:s14+$0xA0]  }
0x139: {  	v22 =	vld [tilespmem:s14+$0xB0];
	v14 =	vadd.f32 v14, v20;
	v15 =	vadd.f32 v15, v20  }
0x13a: {  	v59 =	vld [tilespmem:s14+$0xE0];
	v16 =	vadd.f32 v16, v20;
	v17 =	vadd.f32 v17, v20  }
0x13b: {  	v11 =	vadd.f32 v11, v14;
	v13 =	vadd.f32 v13, v15;
	v14 =	vld [tilespmem:s14+$0xF0]  }
0x13c: {  	v61 =	vld [tilespmem:s14+$0x120];
	v15 =	vadd.f32 v18, v16;
	v60 =	vadd.f32 v19, v17  }
0x13d: {  	v11 =	vadd.f32 v4, v11;
	v10 =	vadd.f32 v10, v13;
	v13 =	vld [tilespmem:s14+$0x130]  }
0x13e: {  	v15 =	vadd.f32 v21, v15;
	v16 =	vadd.f32 v22, v60;
	v4 =	vld [tilespmem:s14+$0x160]  }
0x13f: {  	v11 =	vadd.f32 v5, v11;
	v10 =	vadd.f32 v6, v10;
	v6 =	vld [tilespmem:s14+$0x170]  }
0x140: {  	v15 =	vadd.f32 v59, v15;
	v5 =	vld [tilespmem:s14+$0x1A0];
	v14 =	vadd.f32 v14, v16  }
0x141: {  	v62 =	vadd.f32 v7, v11;
	v63 =	vadd.f32 v8, v10;
	v8 =	vld [tilespmem:s14+$0x1B0]  }
0x142: {  	v11 =	vadd.f32 v61, v15;
	v7 =	vld [tilespmem:s14+$0x1E0];
	v10 =	vadd.f32 v13, v14  }
0x143: {  	s12 =	simm.s32 $0x0;
	v13 =	vadd.f32 v9, v62;
	v12 =	vadd.f32 v12, v63;
	v9 =	vld [tilespmem:s14+$0x1F0];
	s14 =	simm.s32 $0xFC00  }
.LBB2_9:
0x144: {  	v14 =	vld [tilespmem:s14+$0x1C0];
	v4 =	vadd.f32 v4, v11;
	v6 =	vadd.f32 v6, v10  }
0x145: {  	v10 =	vld [tilespmem:s14+$0x1D0];
	v11 =	vadd.f32 v2, v13;
	v12 =	vadd.f32 v3, v12  }
0x146: {  	v2 =	vld [tilespmem:s14+$0x180];
	v4 =	vadd.f32 v5, v4;
	v5 =	vadd.f32 v8, v6  }
0x147: {  	v3 =	vld [tilespmem:s14+$0x190];
	v6 =	vadd.f32 v0, v11;
	v8 =	vadd.f32 v1, v12  }
0x148: {  	v12 =	vld [tilespmem:s14+$0x140];
	v4 =	vadd.f32 v7, v4;
	v5 =	vadd.f32 v9, v5  }
0x149: {  	v9 =	vld [tilespmem:s14+$0x150];
	v0 =	vmov v14  }
0x14a: {  	v7 =	vld [tilespmem:s14+$0x100];
	v1 =	vmov v10  }
0x14b: {  	v10 =	vld [tilespmem:s14+$0x110]  }
0x14c: {  	v11 =	vld [tilespmem:s14+$0xC0]  }
0x14d: {  	v13 =	vld [tilespmem:s14+$0xD0]  }
0x14e: {  	v14 =	vld [tilespmem:s14+$0x80]  }
0x14f: {  	v15 =	vld [tilespmem:s14+$0x90]  }
0x150: {  	v16 =	vld [tilespmem:s14+$0x40]  }
0x151: {  	v17 =	vld [tilespmem:s14+$0x50]  }
0x152: {  	v18 =	vld [tilespmem:s14+$0x0]  }
0x153: {  	v19 =	vld [tilespmem:s14+$0x10]  }
0x154: {  	v20 =	vld [tilespmem:s14+$0x20]  }
0x155: {  	s12 =	sadd.s32 $0x8, s12;
	v21 =	vld [tilespmem:s14+$0x30]  }
0x156: {  	p0 =	slt.u32 s12, $0xC0;
	v22 =	vld [tilespmem:s14+$0x60]  }
0x157: {  	v23 =	vld [tilespmem:s14+$0x70]  }
0x158: {  	v24 =	vld [tilespmem:s14+$0xA0]  }
0x159: {  	v6 =	vadd.f32 v18, v6;
	v8 =	vadd.f32 v19, v8;
	v18 =	vld [tilespmem:s14+$0xB0]  }
0x15a: {  	v4 =	vadd.f32 v20, v4;
	v5 =	vadd.f32 v21, v5;
	v19 =	vld [tilespmem:s14+$0xE0]  }
0x15b: {  	v6 =	vadd.f32 v16, v6;
	v8 =	vadd.f32 v17, v8;
	v16 =	vld [tilespmem:s14+$0xF0]  }
0x15c: {  	v4 =	vadd.f32 v22, v4;
	v5 =	vadd.f32 v23, v5;
	v17 =	vld [tilespmem:s14+$0x120]  }
0x15d: {  	v6 =	vadd.f32 v14, v6;
	v8 =	vadd.f32 v15, v8;
	v14 =	vld [tilespmem:s14+$0x130]  }
0x15e: {  	v15 =	vadd.f32 v24, v4;
	v5 =	vadd.f32 v18, v5;
	v4 =	vld [tilespmem:s14+$0x160]  }
.Ltmp3:
0x15f: {  	v11 =	vadd.f32 v11, v6;
	v8 =	vadd.f32 v13, v8;
	v6 =	vld [tilespmem:s14+$0x170];
	(pc) =	sbr.rel @p0 .LBB2_9-.Ltmp3, $4  }
0x160: {  	v13 =	vadd.f32 v19, v15;
	v15 =	vadd.f32 v16, v5;
	v5 =	vld [tilespmem:s14+$0x1A0]  }
0x161: {  	v16 =	vadd.f32 v7, v11;
	v18 =	vadd.f32 v10, v8;
	v8 =	vld [tilespmem:s14+$0x1B0]  }
0x162: {  	v11 =	vadd.f32 v17, v13;
	v10 =	vadd.f32 v14, v15;
	v7 =	vld [tilespmem:s14+$0x1E0]  }
0x163: {  	v13 =	vadd.f32 v12, v16;
	v12 =	vadd.f32 v9, v18;
	v9 =	vld [tilespmem:s14+$0x1F0];
	s14 =	sadd.s32 $0x200, s14  }
0x164: {  	_ = 	snop  }
0x165: {  	v4 =	vadd.f32 v4, v11;
	v2 =	vadd.f32 v2, v13  }
0x166: {  	v6 =	vadd.f32 v6, v10;
	v3 =	vadd.f32 v3, v12  }
0x167: {  	v4 =	vadd.f32 v5, v4;
	v0 =	vadd.f32 v0, v2  }
0x168: {  	v60 =	vadd.f32 v8, v6;
	v1 =	vadd.f32 v1, v3  }
0x169: {  	v61 =	vadd.f32 v7, v4;
	v0 =	vmul.f32 $4.999999890e-03, v0  }
0x16a: {  	s0 =	sadd.s32 $0x7, s0;
	v2 =	vadd.f32 v9, v60;
	v1 =	vmul.f32 $4.999999890e-03, v1  }
0x16b: {  	s31 =	sadd.s32 $0x1, s31;
	s0 =	sand.u32 $0x7F, s0;
	v62 =	vmul.f32 $4.999999890e-03, v61;
	[tilespmem:s1+$0x12CC0] =	vst v0  }
0x16c: {  	p0 =	sne.s32 s31, $0x20;
	s0 =	smul.u32 $0x320, s0;
	v63 =	vmul.f32 $4.999999890e-03, v2;
	[tilespmem:s1+$0x12CD0] =	vst v1  }
.Ltmp4:
0x16d: {  	[tilespmem:s1+$0x12CE0] =	vst v62;
	(pc) =	sbr.rel @p0 .LBB2_2-.Ltmp4, $4  }
0x16e: {  	s0 =	sshrl.u32 s0, $0x2;
	[tilespmem:s1+$0x12CF0] =	vst v63  }
0x16f: {  	[tilespmem:s21], [sflag:$0x4] =	stream.indirect.gather [hbm4b:s3+s8], $0x40, s0, s8, $0xb8;
	[tilespmem:$0x14C00] =	vst v63  }
0x170: {  	s0 =	sadd.s32 $0x60, s0  }
0x171: {  	[tilespmem:s23], [sflag:$0x4] =	stream.indirect.gather [hbm4b:s3+s10], $0x40, s0, s10, $0xb8;
	[tilespmem:$0x14C00] =	vst v63  }
0x172: {  	_ =	swait.ge [sflag:s24], $0x1800  }
0x173: {  	[sflag:s24] =	ssyncset.done $0x0  }
0x174: {  	[sflag:s24] =	ssyncadd.s32 $0xFFFFE800  }
0x175: {  	_ =	swait.ge [sflag:s24], $0x1A00  }
0x176: {  	[sflag:s24] =	ssyncset.done $0x0  }
0x177: {  	[sflag:s24] =	ssyncadd.s32 $0xFFFFE600  }
0x178: {  	_ =	swait.ge [sflag:s25], $0x1800  }
0x179: {  	[sflag:s25] =	ssyncset.done $0x0  }
0x17a: {  	[sflag:s25] =	ssyncadd.s32 $0xFFFFE800  }
0x17b: {  	_ =	swait.ge [sflag:s25], $0x1A00  }
0x17c: {  	[sflag:s25] =	ssyncset.done $0x0  }
0x17d: {  	[sflag:s25] =	ssyncadd.s32 $0xFFFFE600  }
0x17e: {  	_ =	swait.ge [sflag:s26], $0x1800  }
0x17f: {  	[sflag:s26] =	ssyncset.done $0x0  }
0x180: {  	[sflag:s26] =	ssyncadd.s32 $0xFFFFE800  }
0x181: {  	_ =	swait.ge [sflag:s26], $0x1A00  }
0x182: {  	[sflag:s26] =	ssyncset.done $0x0  }
0x183: {  	[sflag:s26] =	ssyncadd.s32 $0xFFFFE600  }
0x184: {  	_ =	swait.ge [sflag:s28], $0x1800  }
0x185: {  	[sflag:s28] =	ssyncset.done $0x0  }
0x186: {  	[sflag:s28] =	ssyncadd.s32 $0xFFFFE800  }
0x187: {  	s30 =	sadd.s32 $0x1, s30;
	_ =	swait.ge [sflag:s28], $0x1A00  }
0x188: {  	p0 =	sne.s32 s30, s6;
	[sflag:s28] =	ssyncset.done $0x0  }
.Ltmp5:
0x189: {  	[sflag:s28] =	ssyncadd.s32 $0xFFFFE600;
	(pc) =	sbr.rel @p0 .LBB2_1-.Ltmp5, $4  }
0x18a: {  	[hbm4b:s5+s2] =	stream.linear.scatter [tilespmem:s29], [sflag:$0x5], $0x2000, $0x38;
	[tilespmem:$0x14C00] =	vst v63  }
0x18b: {  	_ =	swait.ge [sflag:s7], $0x2000  }
0x18c: {  	[sflag:s7] =	ssyncset.done $0x0  }
0x18d: {  	[sflag:s7] =	ssyncadd.s32 $0xFFFFE000  }
0x18e: {  	_ =	sfence.sel $0x180000  }
0x18f: {  	[bflag:$0x0] =	sbarrier.arrive $0xFFFF  }
0x190: {  	_ =	strace $0x90000047  }
0x191: {  	s0 =	stileid.u32;
	[bflag:$0x2] =	sbarrier.arrive $0xFFFF  }
0x192: {  	p0 =	sne.s32 s0, $0x0;
	s0 =	rddreg [dreg:$0x2]  }
0x193: {  	s0 =	sadd.s32 @!p0 $0x100000, s0  }
0x194: {  	[sflag:s0] =	ssyncadd.tile.s32 @!p0 $0x1;
	_ =	shalt  }
.Lfunc_end2:
_tile_overlayer_lowered:
.L_overlay_start_2:
0x195: {  	(tag) =	ssettag $0x2  }
0x196: {  	s0 =	rddreg [dreg:$0x0];
	s2 =	stileid.u32  }
0x197: {  	s1 =	rddreg [dreg:$0x1];
	p0 =	sne.s32 s2, $0x0  }
0x198: {  	s3 =	rddreg [dreg:$0x2];
	[bflag:$0x3] =	sbarrier.arrive $0xFFFF;
	s2 =	simm.s32 @!p0 $0x1C05  }
0x199: {  	[timem:s3], [sflag:s2] =	dma.local @!p0 [hbm:s0], s1  }
0x19a: {  	s0 =	simm.s32 @!p0 $0x5  }
0x19b: {  	_ =	swait.ge @!p0 [sflag:s0], s1  }
0x19c: {  	s1 =	ssub.s32 @!p0 $0x0, s1;
	[sflag:s0] =	ssyncset.done @!p0 $0x0  }
0x19d: {  	[sflag:s0] =	ssyncadd.s32 @!p0 s1  }
0x19e: {  	[bflag:$0x3] =	sbarrier.arrive $0xFFFF  }
0x19f: {  	_ =	shalt  }

</sc_bundles>
